<compile_context>
chip_gen: v7x
topology: tpu7x:2x2x1
jax: 0.10.2.dev20260603
libtpu: 0.0.44.dev20260713+nightly
codegen_flags: <defaults>
</compile_context>

<pallas_src>
import functools

import jax
import jax.numpy as jnp
from jax import lax
from jax.experimental import pallas as pl
from jax.experimental.pallas import tpu as pltpu
from jax.experimental.pallas import tpu_sc as plsc

N = 10000
E = 320000
NG = 16
NHID = 128
NMACRO = 512

NC = 2
NS = 16
NW = NC * NS
PER_W = E // NW
CH = 80
NCHUNK = PER_W // CH
NP = 10240

NROWS = NHID + 8
CHK = 2000
NCH2 = E // CHK
NEX = PER_W // CHK

BN = 1000
BE = 2560
BH = 1024

_F32 = jnp.float32


def _node_body(xf_ref, macro_ref, W_ref, b_ref, att1_ref,
               h_ref, ha_ref, cnt_ref):
    i = pl.program_id(0)
    rid = lax.broadcasted_iota(jnp.int32, (BN, NMACRO), 0) + i * BN
    eqf = (rid == macro_ref[...]).astype(_F32)
    ones_m = jnp.ones((1, NMACRO), _F32)
    dn = (((1,), (1,)), ((), ()))
    cnt = lax.dot_general(eqf, ones_m, dn, preferred_element_type=_F32)
    ismacro = (cnt > 0).astype(_F32)
    h = jnp.dot(xf_ref[...], W_ref[...], preferred_element_type=_F32)
    h = h + ismacro * W_ref[NHID - 1:NHID, :] + b_ref[...]
    h_ref[...] = h
    ha_ref[...] = lax.dot_general(h, att1_ref[...], dn,
                                  preferred_element_type=_F32)
    cnt_ref[...] = cnt


def _node_call(xf, macro2, W, b2, att1):
    return pl.pallas_call(
        _node_body,
        grid=(N // BN,),
        in_specs=[
            pl.BlockSpec((BN, NHID), lambda i: (i, 0)),
            pl.BlockSpec((1, NMACRO), lambda i: (0, 0)),
            pl.BlockSpec((NHID, NHID), lambda i: (0, 0)),
            pl.BlockSpec((1, NHID), lambda i: (0, 0)),
            pl.BlockSpec((1, NHID), lambda i: (0, 0)),
        ],
        out_specs=[
            pl.BlockSpec((BN, NHID), lambda i: (i, 0)),
            pl.BlockSpec((BN, 1), lambda i: (i, 0)),
            pl.BlockSpec((BN, 1), lambda i: (i, 0)),
        ],
        out_shape=[
            jax.ShapeDtypeStruct((N, NHID), _F32),
            jax.ShapeDtypeStruct((N, 1), _F32),
            jax.ShapeDtypeStruct((N, 1), _F32),
        ],
    )(xf, macro2, W, b2, att1)


_MESH = plsc.VectorSubcoreMesh(core_axis_name="c", subcore_axis_name="s",
                               num_cores=NC, num_subcores=NS)


@functools.partial(
    pl.kernel,
    out_type=(jax.ShapeDtypeStruct((E, NHID), _F32),
              jax.ShapeDtypeStruct((E,), _F32)),
    mesh=_MESH,
    scratch_types=[
        pltpu.VMEM((PER_W,), jnp.int32),
        pltpu.VMEM((PER_W,), jnp.int32),
        pltpu.VMEM((N,), _F32),
        pltpu.VMEM((PER_W,), _F32),
        pltpu.VMEM((CH, NHID), _F32),
        pltpu.VMEM((CH, NHID), _F32),
        pltpu.SemaphoreType.DMA,
        pltpu.SemaphoreType.DMA,
        pltpu.SemaphoreType.DMA,
        pltpu.SemaphoreType.DMA,
        pltpu.SemaphoreType.DMA,
    ],
    compiler_params=pltpu.CompilerParams(needs_layout_passes=False),
)
def _gather_kernel(h_hbm, ha_hbm, src_hbm, dst_hbm, hsrc_hbm, had_hbm,
                   sidx_v, didx_v, ha_v, had_v, rbufA, rbufB,
                   semL, semGA, semWA, semGB, semWB):
    wid = lax.axis_index("s") * NC + lax.axis_index("c")
    base = wid * PER_W
    pltpu.async_copy(src_hbm.at[pl.ds(base, PER_W)], sidx_v, semL)
    pltpu.async_copy(dst_hbm.at[pl.ds(base, PER_W)], didx_v, semL)
    pltpu.async_copy(ha_hbm, ha_v, semL)
    pltpu.make_async_copy(src_hbm.at[pl.ds(0, PER_W)], sidx_v, semL).wait()
    pltpu.make_async_copy(dst_hbm.at[pl.ds(0, PER_W)], didx_v, semL).wait()
    pltpu.make_async_copy(ha_hbm, ha_v, semL).wait()

    def issue_g(j, buf, sem):
        pltpu.async_copy(h_hbm.at[sidx_v.at[pl.ds(j * CH, CH)]], buf, sem)

    def wait_g(buf, sem):
        pltpu.make_async_copy(h_hbm.at[sidx_v.at[pl.ds(0, CH)]], buf,
                              sem).wait()

    def issue_w(j, buf, sem):
        pltpu.async_copy(buf, hsrc_hbm.at[pl.ds(base + j * CH, CH)], sem)

    def wait_w(buf, sem):
        pltpu.make_async_copy(buf, hsrc_hbm.at[pl.ds(0, CH)], sem).wait()

    issue_g(0, rbufA, semGA)

    def gath16(k, carry):
        idx16 = didx_v[pl.ds(k * 16, 16)]
        had_v[pl.ds(k * 16, 16)] = plsc.load_gather(ha_v, [idx16])
        return carry
    lax.fori_loop(0, PER_W // 16, gath16, 0)
    pltpu.sync_copy(had_v, had_hbm.at[pl.ds(base, PER_W)])

    def pair(jj, carry):
        j0 = 2 * jj
        issue_g(j0 + 1, rbufB, semGB)
        wait_g(rbufA, semGA)
        issue_w(j0, rbufA, semWA)
        wait_g(rbufB, semGB)
        issue_w(j0 + 1, rbufB, semWB)
        wait_w(rbufA, semWA)
        issue_g(j0 + 2, rbufA, semGA)
        wait_w(rbufB, semWB)
        return carry
    lax.fori_loop(0, NCHUNK // 2, pair, 0)

    wait_g(rbufA, semGA)
    issue_w(NCHUNK - 1, rbufA, semWA)
    wait_w(rbufA, semWA)


def _edge_body(hsrc_ref, pin_ref, had_ref, pW_ref, pb_ref, att2_ref,
               W1_ref, b1_ref, W2_ref, b2_ref, W3_ref, b3_ref,
               e_ref, wT_ref):
    dn = (((1,), (1,)), ((), ()))
    pinp = jnp.dot(pin_ref[...], pW_ref[...],
                   preferred_element_type=_F32) + pb_ref[...]
    ea = jnp.maximum(hsrc_ref[...] + pinp, 0.0)
    z = had_ref[...] + lax.dot_general(ea, att2_ref[...], dn,
                                       preferred_element_type=_F32)
    z = jnp.where(z >= 0, z, 0.1 * z)
    ex = jnp.exp(z)
    wfull = jnp.concatenate(
        [ex * ea, ex, jnp.zeros((BE, NROWS - NHID - 1), _F32)], axis=1)
    ri = lax.broadcasted_iota(jnp.int32, (NROWS, NROWS), 0)
    ci = lax.broadcasted_iota(jnp.int32, (NROWS, NROWS), 1)
    eye = (ri == ci).astype(_F32)
    wT_ref[...] = lax.dot_general(eye, wfull, dn,
                                  preferred_element_type=_F32)
    v = jnp.dot(ea, W1_ref[...], preferred_element_type=_F32) + b1_ref[...]
    v = jnp.where(v >= 0, v, 0.1 * v)
    v = jnp.dot(v, W2_ref[...], preferred_element_type=_F32) + b2_ref[...]
    v = jnp.where(v >= 0, v, 0.1 * v)
    e_ref[...] = jnp.dot(v, W3_ref[...], preferred_element_type=_F32) + b3_ref[...]


def _edge_call(hsrc, pin, had2, pW, pb2, att2, W1, b12, W2, b22, W3, b32):
    full = lambda shape: pl.BlockSpec(shape, lambda i: (0, 0))
    return pl.pallas_call(
        _edge_body,
        grid=(E // BE,),
        in_specs=[
            pl.BlockSpec((BE, NHID), lambda i: (i, 0)),
            pl.BlockSpec((BE, 4), lambda i: (i, 0)),
            pl.BlockSpec((BE, 1), lambda i: (i, 0)),
            full((4, NHID)), full((1, NHID)), full((1, NHID)),
            full((NHID, 64)), full((1, 64)),
            full((64, 32)), full((1, 32)),
            full((32, 4)), full((1, 4)),
        ],
        out_specs=[
            pl.BlockSpec((BE, 4), lambda i: (i, 0)),
            pl.BlockSpec((NROWS, BE), lambda i: (0, i)),
        ],
        out_shape=[
            jax.ShapeDtypeStruct((E, 4), _F32),
            jax.ShapeDtypeStruct((NROWS, E), _F32),
        ],
    )(hsrc, pin, had2, pW, pb2, att2, W1, b12, W2, b22, W3, b32)


@functools.partial(
    pl.kernel,
    out_type=(jax.ShapeDtypeStruct((NHID * NP,), _F32),
              jax.ShapeDtypeStruct((NW * NP,), _F32)),
    mesh=_MESH,
    scratch_types=[
        pltpu.VMEM((NP,), _F32),
        pltpu.VMEM((NP,), _F32),
        pltpu.VMEM((NP,), _F32),
        pltpu.VMEM((NP,), _F32),
        pltpu.VMEM((NP,), _F32),
        pltpu.VMEM((CHK,), jnp.int32),
        pltpu.VMEM((CHK,), _F32),
        pltpu.VMEM((CHK,), _F32),
        pltpu.VMEM((CHK,), _F32),
        pltpu.VMEM((CHK,), _F32),
        pltpu.VMEM((CHK,), jnp.int32),
        pltpu.VMEM((CHK,), _F32),
        pltpu.VMEM((CHK,), _F32),
        pltpu.VMEM((CHK,), _F32),
        pltpu.VMEM((CHK,), _F32),
        pltpu.SemaphoreType.DMA,
        pltpu.SemaphoreType.DMA,
    ],
    compiler_params=pltpu.CompilerParams(needs_layout_passes=False),
)
def _acc_kernel(wT_hbm, dst_hbm, sacc_hbm, tparts_hbm,
                acc0, acc1, acc2, acc3, tacc,
                didxA, da0, da1, da2, da3,
                didxB, dbb0, dbb1, dbb2, dbb3,
                sem0, sem1):
    wid = lax.axis_index("s") * NC + lax.axis_index("c")
    r0 = wid * 4
    accs = (acc0, acc1, acc2, acc3)
    sets = ((didxA, (da0, da1, da2, da3), sem0),
            (didxB, (dbb0, dbb1, dbb2, dbb3), sem1))

    zero16 = jnp.zeros((16,), _F32)

    def zloop(i, carry):
        sl = pl.ds(i * 16, 16)
        acc0[sl] = zero16
        acc1[sl] = zero16
        acc2[sl] = zero16
        acc3[sl] = zero16
        tacc[sl] = zero16
        return carry
    lax.fori_loop(0, NP // 16, zloop, 0)

    def issue(j, s):
        didx, dbs, sem = sets[s]
        e0 = j * CHK
        pltpu.async_copy(dst_hbm.at[pl.ds(e0, CHK)], didx, sem)
        for r in range(4):
            pltpu.async_copy(wT_hbm.at[pl.ds((r0 + r) * E + e0, CHK)],
                             dbs[r], sem)

    def drain(s):
        didx, dbs, sem = sets[s]
        pltpu.make_async_copy(dst_hbm.at[pl.ds(0, CHK)], didx, sem).wait()
        for r in range(4):
            pltpu.make_async_copy(wT_hbm.at[pl.ds(0, CHK)], dbs[r],
                                  sem).wait()

    def compute(s):
        didx, dbs, _ = sets[s]

        def inner(k, c2):
            for u in range(5):
                sl = pl.ds((k * 5 + u) * 16, 16)
                idx16 = didx[sl]
                for r in range(4):
                    plsc.addupdate_scatter(accs[r], [idx16], dbs[r][sl])
            return c2
        lax.fori_loop(0, CHK // 80, inner, 0)

    issue(0, 0)

    def pair(jj, carry):
        j0 = 2 * jj
        issue(j0 + 1, 1)
        drain(0)
        compute(0)

        @pl.when(jj < NCH2 // 2 - 1)
        def _next():
            issue(j0 + 2, 0)

        drain(1)
        compute(1)
        return carry
    lax.fori_loop(0, NCH2 // 2, pair, 0)

    def exchunk(j, carry):
        e0 = wid * PER_W + j * CHK
        pltpu.sync_copy(dst_hbm.at[pl.ds(e0, CHK)], didxA)
        pltpu.sync_copy(wT_hbm.at[pl.ds(NHID * E + e0, CHK)], da0)

        def inner(k, c2):
            sl = pl.ds(k * 16, 16)
            plsc.addupdate_scatter(tacc, [didxA[sl]], da0[sl])
            return c2
        lax.fori_loop(0, CHK // 16, inner, 0)
        return carry
    lax.fori_loop(0, NEX, exchunk, 0)

    pltpu.sync_copy(acc0, sacc_hbm.at[pl.ds((r0 + 0) * NP, NP)])
    pltpu.sync_copy(acc1, sacc_hbm.at[pl.ds((r0 + 1) * NP, NP)])
    pltpu.sync_copy(acc2, sacc_hbm.at[pl.ds((r0 + 2) * NP, NP)])
    pltpu.sync_copy(acc3, sacc_hbm.at[pl.ds((r0 + 3) * NP, NP)])
    pltpu.sync_copy(tacc, tparts_hbm.at[pl.ds(wid * NP, NP)])


def _head_body(sT_ref, tp_ref, cnt_ref, batch_ref,
               eW_ref, eb_ref, W1_ref, b1_ref, W2_ref, b2_ref, W3_ref, b3_ref,
               g_ref, pm_acc, pf_acc, cm_acc, cf_acc):
    i = pl.program_id(0)

    @pl.when(i == 0)
    def _init():
        pm_acc[...] = jnp.zeros_like(pm_acc)
        pf_acc[...] = jnp.zeros_like(pf_acc)
        cm_acc[...] = jnp.zeros_like(cm_acc)
        cf_acc[...] = jnp.zeros_like(cf_acc)

    dn0 = (((0,), (0,)), ((), ()))
    t = lax.dot_general(tp_ref[...], jnp.ones((1, NW), _F32),
                        (((0,), (1,)), ((), ())),
                        preferred_element_type=_F32)
    xo = (lax.dot_general(sT_ref[...], eW_ref[...], dn0,
                          preferred_element_type=_F32)
          + t * eb_ref[...]) / (t + 1e-16)
    gi = lax.broadcasted_iota(jnp.int32, (BH, NG), 1)
    oh = (batch_ref[...] == gi).astype(_F32)
    ohm = oh * cnt_ref[...]
    ones = jnp.ones((BH, NHID), _F32)
    pf_acc[...] += lax.dot_general(oh, xo, dn0, preferred_element_type=_F32)
    pm_acc[...] += lax.dot_general(ohm, xo, dn0, preferred_element_type=_F32)
    cf_acc[...] += lax.dot_general(oh, ones, dn0, preferred_element_type=_F32)
    cm_acc[...] += lax.dot_general(ohm, ones, dn0, preferred_element_type=_F32)

    @pl.when(i == NP // BH - 1)
    def _final():
        x1a = pm_acc[...] / jnp.maximum(cm_acc[...], 1.0)
        x1b = pf_acc[...] / jnp.maximum(cf_acc[...], 1.0)
        v = (jnp.dot(x1a, W1_ref[...][:NHID], preferred_element_type=_F32)
             + jnp.dot(x1b, W1_ref[...][NHID:], preferred_element_type=_F32)
             + b1_ref[...])
        v = jnp.where(v >= 0, v, 0.1 * v)
        v = jnp.dot(v, W2_ref[...], preferred_element_type=_F32) + b2_ref[...]
        v = jnp.where(v >= 0, v, 0.1 * v)
        g_ref[...] = jnp.dot(v, W3_ref[...],
                             preferred_element_type=_F32) + b3_ref[...]


def _head_call(sT, tp, cnt, batch2,
               eW, eb2, W1, b12, W2, b22, W3, b32):
    full = lambda shape: pl.BlockSpec(shape, lambda i: (0, 0))
    return pl.pallas_call(
        _head_body,
        grid=(NP // BH,),
        in_specs=[
            pl.BlockSpec((NHID, BH), lambda i: (0, i)),
            pl.BlockSpec((NW, BH), lambda i: (0, i)),
            pl.BlockSpec((BH, 1), lambda i: (i, 0)),
            pl.BlockSpec((BH, 1), lambda i: (i, 0)),
            full((NHID, NHID)), full((1, NHID)),
            full((2 * NHID, NHID)), full((1, NHID)),
            full((NHID, 64)), full((1, 64)),
            full((64, 4)), full((1, 4)),
        ],
        out_specs=pl.BlockSpec((NG, 4), lambda i: (0, 0)),
        out_shape=jax.ShapeDtypeStruct((NG, 4), _F32),
        scratch_shapes=[
            pltpu.VMEM((NG, NHID), _F32),
            pltpu.VMEM((NG, NHID), _F32),
            pltpu.VMEM((NG, NHID), _F32),
            pltpu.VMEM((NG, NHID), _F32),
        ],
    )(sT, tp, cnt, batch2, eW, eb2, W1, b12, W2, b22, W3, b32)


def kernel(x, edge_index, pin_feature, batch, fake_pos, macro_index,
           v2e_node_W, v2e_node_b, v2e_pin_W, v2e_pin_b,
           e2v_W, e2v_b, att,
           mlp_W1, mlp_b1, mlp_W2, mlp_b2, mlp_W3, mlp_b3,
           mlp2_W1, mlp2_b1, mlp2_W2, mlp2_b2, mlp2_W3, mlp2_b3):
    src = edge_index[0]
    dst = edge_index[1]
    xf = jnp.concatenate([x, fake_pos, jnp.zeros((N, 1), _F32)], axis=1)

    h, ha, cnt = _node_call(
        xf, macro_index.reshape(1, NMACRO), v2e_node_W,
        v2e_node_b.reshape(1, NHID), att[:NHID].reshape(1, NHID))

    hsrc, had = _gather_kernel(h, ha.reshape(N), src, dst)

    e, wT = _edge_call(
        hsrc, pin_feature, had.reshape(E, 1),
        v2e_pin_W, v2e_pin_b.reshape(1, NHID),
        att[NHID:].reshape(1, NHID),
        mlp2_W1, mlp2_b1.reshape(1, 64),
        mlp2_W2, mlp2_b2.reshape(1, 32),
        mlp2_W3, mlp2_b3.reshape(1, 4))

    sacc_f, tparts_f = _acc_kernel(wT.reshape(NROWS * E), dst)
    sT = sacc_f.reshape(NHID, NP)
    tp = tparts_f.reshape(NW, NP)
    cnt_p = jnp.concatenate([cnt, jnp.zeros((NP - N, 1), _F32)], axis=0)
    batch_p = jnp.concatenate(
        [batch, jnp.full((NP - N,), -1, jnp.int32)]).reshape(NP, 1)

    g = _head_call(
        sT, tp, cnt_p, batch_p,
        e2v_W, e2v_b.reshape(1, NHID),
        mlp_W1, mlp_b1.reshape(1, NHID),
        mlp_W2, mlp_b2.reshape(1, 64),
        mlp_W3, mlp_b3.reshape(1, 4))

    return (g, e)

# --- scband reference (transcript-rebuilt; emitter-appended) ---
"""Pipeline reference for scband-dnet-60601988547113 (READ-ONLY COPY).

The authoritative reference and input builder live on the scoring server;
editing this copy changes nothing except your own understanding.
"""

import jax, jax.numpy as jnp
import numpy as np

N = 10000
E = 320000
NG = 16
NHID = 128
NCLS = 4
NMACRO = 512


def leaky_relu(v, s=0.1):
    return jnp.where(v >= 0, v, s * v)


def _lin(k, i, o):
    k1, k2 = jax.random.split(k)
    s = 1.0 / np.sqrt(i)
    W = jax.random.uniform(k1, (i, o), minval=-s, maxval=s, dtype=jnp.float32)
    b = jax.random.uniform(k2, (o,), minval=-s, maxval=s, dtype=jnp.float32)
    return W, b


def setup_inputs(seed: int = 0) -> dict:
    key = jax.random.key(seed)
    ks = jax.random.split(key, 20)
    inp = {}
    inp["x"] = jax.random.normal(ks[0], (N, 125), dtype=jnp.float32)
    inp["edge_index"] = jax.random.randint(ks[1], (2, E), 0, N, dtype=jnp.int32)
    inp["pin_feature"] = jax.random.normal(ks[2], (E, 4), dtype=jnp.float32)
    inp["batch"] = jnp.sort(jax.random.randint(ks[3], (N,), 0, NG, dtype=jnp.int32))
    inp["fake_pos"] = jax.random.uniform(ks[4], (N, 2), dtype=jnp.float32)
    inp["macro_index"] = jax.random.randint(ks[5], (NMACRO,), 0, N, dtype=jnp.int32)
    inp["v2e_node_W"], inp["v2e_node_b"] = _lin(ks[6], 128, NHID)
    inp["v2e_pin_W"], inp["v2e_pin_b"] = _lin(ks[7], 4, NHID)
    inp["e2v_W"], inp["e2v_b"] = _lin(ks[8], NHID, NHID)
    inp["att"] = jax.random.normal(ks[9], (2 * NHID,), dtype=jnp.float32) * 0.1
    inp["mlp_W1"], inp["mlp_b1"] = _lin(ks[10], 2 * NHID, NHID)
    inp["mlp_W2"], inp["mlp_b2"] = _lin(ks[11], NHID, NHID // 2)
    inp["mlp_W3"], inp["mlp_b3"] = _lin(ks[12], NHID // 2, NCLS)
    inp["mlp2_W1"], inp["mlp2_b1"] = _lin(ks[13], NHID, NHID // 2)
    inp["mlp2_W2"], inp["mlp2_b2"] = _lin(ks[14], NHID // 2, NHID // 4)
    inp["mlp2_W3"], inp["mlp2_b3"] = _lin(ks[15], NHID // 4, NCLS)
    return inp


def _gap(feat, seg, num):
    s = jax.ops.segment_sum(feat, seg, num_segments=num)
    c = jax.ops.segment_sum(jnp.ones((feat.shape[0],), feat.dtype), seg, num_segments=num)
    return s / jnp.maximum(c, 1.0)[:, None]


def reference(x, edge_index, pin_feature, batch, fake_pos, macro_index,
              v2e_node_W, v2e_node_b, v2e_pin_W, v2e_pin_b,
              e2v_W, e2v_b, att,
              mlp_W1, mlp_b1, mlp_W2, mlp_b2, mlp_W3, mlp_b3,
              mlp2_W1, mlp2_b1, mlp2_W2, mlp2_b2, mlp2_W3, mlp2_b3):
    src, dst = edge_index[0], edge_index[1]
    # build ismacro indicator and concat node features
    ismacro = jnp.zeros((x.shape[0], 1), dtype=x.dtype).at[macro_index].set(1.0)
    xc = jnp.concatenate([x, fake_pos, ismacro], axis=-1)
    # V2EConv: project nodes, gather to edges, mix pin features -> edge_attr
    h = xc @ v2e_node_W + v2e_node_b
    edge_attr = jax.nn.relu(h[src] + pin_feature @ v2e_pin_W + v2e_pin_b)
    # E2VConv: attention-weighted scatter of edge messages to dst nodes
    m = edge_attr @ e2v_W + e2v_b
    alpha_logit = leaky_relu(jnp.concatenate([h[dst], edge_attr], axis=-1) @ att, 0.1)
    amax = jax.ops.segment_max(alpha_logit, dst, num_segments=N)
    amax = jnp.where(jnp.isfinite(amax), amax, 0.0)
    ex = jnp.exp(alpha_logit - amax[dst])
    denom = jax.ops.segment_sum(ex, dst, num_segments=N)
    alpha = ex / (denom[dst] + 1e-16)
    xo = jax.ops.segment_sum(alpha[:, None] * m, dst, num_segments=N)
    # graph readout: macro-pool || full-pool
    macro_batch = batch[macro_index]
    x1 = jnp.concatenate([_gap(xo[macro_index], macro_batch, NG), _gap(xo, batch, NG)], axis=1)
    g = leaky_relu(x1 @ mlp_W1 + mlp_b1, 0.1)
    g = leaky_relu(g @ mlp_W2 + mlp_b2, 0.1)
    g = g @ mlp_W3 + mlp_b3
    e = leaky_relu(edge_attr @ mlp2_W1 + mlp2_b1, 0.1)
    e = leaky_relu(e @ mlp2_W2 + mlp2_b2, 0.1)
    e = e @ mlp2_W3 + mlp2_b3
    return (g, e)

if __name__ == "__main__":
    import jax
    _d = setup_inputs()
    print(jax.jit(kernel)(*tuple(_d.values())))

</pallas_src>

<mosaic_0001>
#map = affine_map<(d0, d1) -> (0, 0)>
#map1 = affine_map<(d0, d1) -> (0)>
module attributes {stable_mosaic.version = 14 : i64} {
  func.func @_gather_kernel(%arg0: i32, %arg1: i32, %arg2: memref<10000x128xf32, #tpu.memory_space<hbm>>, %arg3: memref<10000xf32, #tpu.memory_space<hbm>>, %arg4: memref<320000xi32, #tpu.memory_space<hbm>>, %arg5: memref<320000xi32, #tpu.memory_space<hbm>>, %arg6: memref<320000x128xf32, #tpu.memory_space<hbm>>, %arg7: memref<320000xf32, #tpu.memory_space<hbm>>, %arg8: memref<10000xi32, #tpu.memory_space<vmem>>, %arg9: memref<10000xi32, #tpu.memory_space<vmem>>, %arg10: memref<10000xf32, #tpu.memory_space<vmem>>, %arg11: memref<10000xf32, #tpu.memory_space<vmem>>, %arg12: memref<80x128xf32, #tpu.memory_space<vmem>>, %arg13: memref<80x128xf32, #tpu.memory_space<vmem>>, %arg14: memref<!tpu.dma_semaphore, #tpu.memory_space<semaphore_mem>>, %arg15: memref<!tpu.dma_semaphore, #tpu.memory_space<semaphore_mem>>, %arg16: memref<!tpu.dma_semaphore, #tpu.memory_space<semaphore_mem>>, %arg17: memref<!tpu.dma_semaphore, #tpu.memory_space<semaphore_mem>>, %arg18: memref<!tpu.dma_semaphore, #tpu.memory_space<semaphore_mem>>) attributes {dimension_semantics = [#tpu.dimension_semantics<core_parallel>, #tpu.dimension_semantics<subcore_parallel>], iteration_bounds = array<i64: 2, 16>, scalar_prefetch = 0 : i64, scratch_operands = 11 : i64, tpu.core_type = #tpu.core_type<sc_vector_subcore>, window_params = [{transform_indices = #map}, {transform_indices = #map1}, {transform_indices = #map1}, {transform_indices = #map1}, {transform_indices = #map}, {transform_indices = #map1}]} {
    %mul3A = arith.constant 2 : i32
    %mul3A_0 = arith.muli %arg1, %mul3A : i32
    %add3A = arith.addi %mul3A_0, %arg0 : i32
    %mul3A_1 = arith.constant 10000 : i32
    %mul3A_2 = arith.muli %add3A, %mul3A_1 : i32
    %dma_start3A = tpu.memref_slice %arg4[%mul3A_2] : memref<320000xi32, #tpu.memory_space<hbm>> -> memref<10000xi32, #tpu.memory_space<hbm>>
    %dma_start3A_3 = tpu.memref_slice %arg4[%mul3A_2] : memref<320000xi32, #tpu.memory_space<hbm>> -> memref<10000xi32, #tpu.memory_space<hbm>>
    tpu.enqueue_dma source(%dma_start3A_3 : memref<10000xi32, #tpu.memory_space<hbm>>) target(%arg8 : memref<10000xi32, #tpu.memory_space<vmem>>) target_semaphore(%arg14 : memref<!tpu.dma_semaphore, #tpu.memory_space<semaphore_mem>>)
    %dma_start3A_4 = tpu.memref_slice %arg5[%mul3A_2] : memref<320000xi32, #tpu.memory_space<hbm>> -> memref<10000xi32, #tpu.memory_space<hbm>>
    %dma_start3A_5 = tpu.memref_slice %arg5[%mul3A_2] : memref<320000xi32, #tpu.memory_space<hbm>> -> memref<10000xi32, #tpu.memory_space<hbm>>
    tpu.enqueue_dma source(%dma_start3A_5 : memref<10000xi32, #tpu.memory_space<hbm>>) target(%arg9 : memref<10000xi32, #tpu.memory_space<vmem>>) target_semaphore(%arg14 : memref<!tpu.dma_semaphore, #tpu.memory_space<semaphore_mem>>)
    tpu.enqueue_dma source(%arg3 : memref<10000xf32, #tpu.memory_space<hbm>>) target(%arg10 : memref<10000xf32, #tpu.memory_space<vmem>>) target_semaphore(%arg14 : memref<!tpu.dma_semaphore, #tpu.memory_space<semaphore_mem>>)
    %dma_wait3A = arith.constant 0 : i32
    %dma_wait3A_6 = tpu.memref_slice %arg4[%dma_wait3A] : memref<320000xi32, #tpu.memory_space<hbm>> -> memref<10000xi32, #tpu.memory_space<hbm>>
    %dma_wait3A_7 = arith.constant 0 : i32
    %dma_wait3A_8 = tpu.memref_slice %arg4[%dma_wait3A_7] : memref<320000xi32, #tpu.memory_space<hbm>> -> memref<10000xi32, #tpu.memory_space<hbm>>
    tpu.wait_dma2 semaphore(%arg14 : memref<!tpu.dma_semaphore, #tpu.memory_space<semaphore_mem>>) src(%dma_wait3A_8 : memref<10000xi32, #tpu.memory_space<hbm>>) dst(%arg8 : memref<10000xi32, #tpu.memory_space<vmem>>)
    %dma_wait3A_9 = arith.constant 0 : i32
    %dma_wait3A_10 = tpu.memref_slice %arg5[%dma_wait3A_9] : memref<320000xi32, #tpu.memory_space<hbm>> -> memref<10000xi32, #tpu.memory_space<hbm>>
    %dma_wait3A_11 = arith.constant 0 : i32
    %dma_wait3A_12 = tpu.memref_slice %arg5[%dma_wait3A_11] : memref<320000xi32, #tpu.memory_space<hbm>> -> memref<10000xi32, #tpu.memory_space<hbm>>
    tpu.wait_dma2 semaphore(%arg14 : memref<!tpu.dma_semaphore, #tpu.memory_space<semaphore_mem>>) src(%dma_wait3A_12 : memref<10000xi32, #tpu.memory_space<hbm>>) dst(%arg9 : memref<10000xi32, #tpu.memory_space<vmem>>)
    tpu.wait_dma2 semaphore(%arg14 : memref<!tpu.dma_semaphore, #tpu.memory_space<semaphore_mem>>) src(%arg3 : memref<10000xf32, #tpu.memory_space<hbm>>) dst(%arg10 : memref<10000xf32, #tpu.memory_space<vmem>>)
    %dma_start3A_13 = arith.constant 0 : i32
    %dma_start3A_14 = tpu.memref_slice %arg8[%dma_start3A_13] : memref<10000xi32, #tpu.memory_space<vmem>> -> memref<80xi32, #tpu.memory_space<vmem>>
    %dma_start3A_15 = arith.constant 0 : i32
    %dma_start3A_16 = arith.constant 0 : i32
    %dma_start3A_17 = tpu.memref_slice %arg2[%dma_start3A_15, %dma_start3A_16] : memref<10000x128xf32, #tpu.memory_space<hbm>> -> memref<10000x128xf32, #tpu.memory_space<hbm>>
    tpu.enqueue_indirect_dma source(%dma_start3A_17 : memref<10000x128xf32, #tpu.memory_space<hbm>>) target(%arg12 : memref<80x128xf32, #tpu.memory_space<vmem>>) offsets(%dma_start3A_14 : memref<80xi32, #tpu.memory_space<vmem>>) semaphore(%arg15 : memref<!tpu.dma_semaphore, #tpu.memory_space<semaphore_mem>>)
    %scan3A = arith.constant 0 : i32
    %scan3A_18 = arith.constant 0 : i32
    %scan3A_19 = arith.constant 625 : i32
    %scan3A_20 = arith.addi %scan3A_18, %scan3A_19 : i32
    %scan3A_21 = arith.constant 1 : i32
    scf.for %scan3A_46 = %scan3A_18 to %scan3A_20 step %scan3A_21  : i32 {
      %mul3A_47 = arith.constant 16 : i32
      %mul3A_48 = arith.muli %scan3A_46, %mul3A_47 : i32
      %get3A = arith.index_cast %mul3A_48 : i32 to index
      %get3A_49 = tpu.vector_load %arg9[%get3A] {strides = array<i32>} : memref<10000xi32, #tpu.memory_space<vmem>>, vector<16xi32>,
      %gather3A = tpu.vector_load_idx %arg10[%get3A_49] : memref<10000xf32, #tpu.memory_space<vmem>>[vector<16xi32>], vector<16xf32>,
      %mul3A_50 = arith.constant 16 : i32
      %mul3A_51 = arith.muli %scan3A_46, %mul3A_50 : i32
      %swap3A = arith.index_cast %mul3A_51 : i32 to index
      %swap3A_52 = tpu.vector_load %arg11[%swap3A] {strides = array<i32>} : memref<10000xf32, #tpu.memory_space<vmem>>, vector<16xf32>,
      tpu.vector_store %arg11[%swap3A], %gather3A {strides = array<i32>} : memref<10000xf32, #tpu.memory_space<vmem>>, vector<16xf32>,
    }
    %scan3A_22 = arith.constant 625 : i32
    "tpu.region"() ({
      %run_scoped3A = tpu.sem_alloc : memref<!tpu.dma_semaphore, #tpu.memory_space<semaphore_mem>>
      %dma_start3A_46 = tpu.memref_slice %arg7[%mul3A_2] : memref<320000xf32, #tpu.memory_space<hbm>> -> memref<10000xf32, #tpu.memory_space<hbm>>
      %dma_start3A_47 = tpu.memref_slice %arg7[%mul3A_2] : memref<320000xf32, #tpu.memory_space<hbm>> -> memref<10000xf32, #tpu.memory_space<hbm>>
      tpu.enqueue_dma source(%arg11 : memref<10000xf32, #tpu.memory_space<vmem>>) target(%dma_start3A_47 : memref<10000xf32, #tpu.memory_space<hbm>>) target_semaphore(%run_scoped3A : memref<!tpu.dma_semaphore, #tpu.memory_space<semaphore_mem>>)
      %dma_wait3A_48 = tpu.memref_slice %arg7[%mul3A_2] : memref<320000xf32, #tpu.memory_space<hbm>> -> memref<10000xf32, #tpu.memory_space<hbm>>
      %dma_wait3A_49 = tpu.memref_slice %arg7[%mul3A_2] : memref<320000xf32, #tpu.memory_space<hbm>> -> memref<10000xf32, #tpu.memory_space<hbm>>
      tpu.wait_dma2 semaphore(%run_scoped3A : memref<!tpu.dma_semaphore, #tpu.memory_space<semaphore_mem>>) src(%arg11 : memref<10000xf32, #tpu.memory_space<vmem>>) dst(%dma_wait3A_49 : memref<10000xf32, #tpu.memory_space<hbm>>)
      tpu.yield
    }) : () -> ()
    %scan3A_23 = arith.constant 0 : i32
    %scan3A_24 = arith.constant 0 : i32
    %scan3A_25 = arith.constant 62 : i32
    %scan3A_26 = arith.addi %scan3A_24, %scan3A_25 : i32
    %scan3A_27 = arith.constant 1 : i32
    scf.for %scan3A_46 = %scan3A_24 to %scan3A_26 step %scan3A_27  : i32 {
      %mul3A_47 = arith.constant 2 : i32
      %mul3A_48 = arith.muli %mul3A_47, %scan3A_46 : i32
      %add3A_49 = arith.constant 1 : i32
      %add3A_50 = arith.addi %mul3A_48, %add3A_49 : i32
      %mul3A_51 = arith.constant 80 : i32
      %mul3A_52 = arith.muli %add3A_50, %mul3A_51 : i32
      %dma_start3A_53 = tpu.memref_slice %arg8[%mul3A_52] : memref<10000xi32, #tpu.memory_space<vmem>> -> memref<80xi32, #tpu.memory_space<vmem>>
      %dma_start3A_54 = arith.constant 0 : i32
      %dma_start3A_55 = arith.constant 0 : i32
      %dma_start3A_56 = tpu.memref_slice %arg2[%dma_start3A_54, %dma_start3A_55] : memref<10000x128xf32, #tpu.memory_space<hbm>> -> memref<10000x128xf32, #tpu.memory_space<hbm>>
      tpu.enqueue_indirect_dma source(%dma_start3A_56 : memref<10000x128xf32, #tpu.memory_space<hbm>>) target(%arg13 : memref<80x128xf32, #tpu.memory_space<vmem>>) offsets(%dma_start3A_53 : memref<80xi32, #tpu.memory_space<vmem>>) semaphore(%arg17 : memref<!tpu.dma_semaphore, #tpu.memory_space<semaphore_mem>>)
      %dma_wait3A_57 = arith.constant 0 : i32
      %dma_wait3A_58 = tpu.memref_slice %arg8[%dma_wait3A_57] : memref<10000xi32, #tpu.memory_space<vmem>> -> memref<80xi32, #tpu.memory_space<vmem>>
      %dma_wait3A_59 = arith.constant 0 : i32
      %dma_wait3A_60 = arith.constant 0 : i32
      %dma_wait3A_61 = tpu.memref_slice %arg2[%dma_wait3A_59, %dma_wait3A_60] : memref<10000x128xf32, #tpu.memory_space<hbm>> -> memref<10000x128xf32, #tpu.memory_space<hbm>>
      tpu.wait_indirect_dma semaphore(%arg15 : memref<!tpu.dma_semaphore, #tpu.memory_space<semaphore_mem>>) src(%dma_wait3A_61 : memref<10000x128xf32, #tpu.memory_space<hbm>>) dst(%arg12 : memref<80x128xf32, #tpu.memory_space<vmem>>)
      %mul3A_62 = arith.constant 80 : i32
      %mul3A_63 = arith.muli %mul3A_48, %mul3A_62 : i32
      %add3A_64 = arith.addi %mul3A_2, %mul3A_63 : i32
      %dma_start3A_65 = arith.constant 0 : i32
      %dma_start3A_66 = tpu.memref_slice %arg6[%add3A_64, %dma_start3A_65] : memref<320000x128xf32, #tpu.memory_space<hbm>> -> memref<80x128xf32, #tpu.memory_space<hbm>>
      %dma_start3A_67 = arith.constant 0 : i32
      %dma_start3A_68 = tpu.memref_slice %arg6[%add3A_64, %dma_start3A_67] : memref<320000x128xf32, #tpu.memory_space<hbm>> -> memref<80x128xf32, #tpu.memory_space<hbm>>
      tpu.enqueue_dma source(%arg12 : memref<80x128xf32, #tpu.memory_space<vmem>>) target(%dma_start3A_68 : memref<80x128xf32, #tpu.memory_space<hbm>>) target_semaphore(%arg16 : memref<!tpu.dma_semaphore, #tpu.memory_space<semaphore_mem>>)
      %dma_wait3A_69 = arith.constant 0 : i32
      %dma_wait3A_70 = tpu.memref_slice %arg8[%dma_wait3A_69] : memref<10000xi32, #tpu.memory_space<vmem>> -> memref<80xi32, #tpu.memory_space<vmem>>
      %dma_wait3A_71 = arith.constant 0 : i32
      %dma_wait3A_72 = arith.constant 0 : i32
      %dma_wait3A_73 = tpu.memref_slice %arg2[%dma_wait3A_71, %dma_wait3A_72] : memref<10000x128xf32, #tpu.memory_space<hbm>> -> memref<10000x128xf32, #tpu.memory_space<hbm>>
      tpu.wait_indirect_dma semaphore(%arg17 : memref<!tpu.dma_semaphore, #tpu.memory_space<semaphore_mem>>) src(%dma_wait3A_73 : memref<10000x128xf32, #tpu.memory_space<hbm>>) dst(%arg13 : memref<80x128xf32, #tpu.memory_space<vmem>>)
      %add3A_74 = arith.constant 1 : i32
      %add3A_75 = arith.addi %mul3A_48, %add3A_74 : i32
      %mul3A_76 = arith.constant 80 : i32
      %mul3A_77 = arith.muli %add3A_75, %mul3A_76 : i32
      %add3A_78 = arith.addi %mul3A_2, %mul3A_77 : i32
      %dma_start3A_79 = arith.constant 0 : i32
      %dma_start3A_80 = tpu.memref_slice %arg6[%add3A_78, %dma_start3A_79] : memref<320000x128xf32, #tpu.memory_space<hbm>> -> memref<80x128xf32, #tpu.memory_space<hbm>>
      %dma_start3A_81 = arith.constant 0 : i32
      %dma_start3A_82 = tpu.memref_slice %arg6[%add3A_78, %dma_start3A_81] : memref<320000x128xf32, #tpu.memory_space<hbm>> -> memref<80x128xf32, #tpu.memory_space<hbm>>
      tpu.enqueue_dma source(%arg13 : memref<80x128xf32, #tpu.memory_space<vmem>>) target(%dma_start3A_82 : memref<80x128xf32, #tpu.memory_space<hbm>>) target_semaphore(%arg18 : memref<!tpu.dma_semaphore, #tpu.memory_space<semaphore_mem>>)
      %dma_wait3A_83 = arith.constant 0 : i32
      %dma_wait3A_84 = arith.constant 0 : i32
      %dma_wait3A_85 = tpu.memref_slice %arg6[%dma_wait3A_83, %dma_wait3A_84] : memref<320000x128xf32, #tpu.memory_space<hbm>> -> memref<80x128xf32, #tpu.memory_space<hbm>>
      %dma_wait3A_86 = arith.constant 0 : i32
      %dma_wait3A_87 = arith.constant 0 : i32
      %dma_wait3A_88 = tpu.memref_slice %arg6[%dma_wait3A_86, %dma_wait3A_87] : memref<320000x128xf32, #tpu.memory_space<hbm>> -> memref<80x128xf32, #tpu.memory_space<hbm>>
      tpu.wait_dma2 semaphore(%arg16 : memref<!tpu.dma_semaphore, #tpu.memory_space<semaphore_mem>>) src(%arg12 : memref<80x128xf32, #tpu.memory_space<vmem>>) dst(%dma_wait3A_88 : memref<80x128xf32, #tpu.memory_space<hbm>>)
      %add3A_89 = arith.constant 2 : i32
      %add3A_90 = arith.addi %mul3A_48, %add3A_89 : i32
      %mul3A_91 = arith.constant 80 : i32
      %mul3A_92 = arith.muli %add3A_90, %mul3A_91 : i32
      %dma_start3A_93 = tpu.memref_slice %arg8[%mul3A_92] : memref<10000xi32, #tpu.memory_space<vmem>> -> memref<80xi32, #tpu.memory_space<vmem>>
      %dma_start3A_94 = arith.constant 0 : i32
      %dma_start3A_95 = arith.constant 0 : i32
      %dma_start3A_96 = tpu.memref_slice %arg2[%dma_start3A_94, %dma_start3A_95] : memref<10000x128xf32, #tpu.memory_space<hbm>> -> memref<10000x128xf32, #tpu.memory_space<hbm>>
      tpu.enqueue_indirect_dma source(%dma_start3A_96 : memref<10000x128xf32, #tpu.memory_space<hbm>>) target(%arg12 : memref<80x128xf32, #tpu.memory_space<vmem>>) offsets(%dma_start3A_93 : memref<80xi32, #tpu.memory_space<vmem>>) semaphore(%arg15 : memref<!tpu.dma_semaphore, #tpu.memory_space<semaphore_mem>>)
      %dma_wait3A_97 = arith.constant 0 : i32
      %dma_wait3A_98 = arith.constant 0 : i32
      %dma_wait3A_99 = tpu.memref_slice %arg6[%dma_wait3A_97, %dma_wait3A_98] : memref<320000x128xf32, #tpu.memory_space<hbm>> -> memref<80x128xf32, #tpu.memory_space<hbm>>
      %dma_wait3A_100 = arith.constant 0 : i32
      %dma_wait3A_101 = arith.constant 0 : i32
      %dma_wait3A_102 = tpu.memref_slice %arg6[%dma_wait3A_100, %dma_wait3A_101] : memref<320000x128xf32, #tpu.memory_space<hbm>> -> memref<80x128xf32, #tpu.memory_space<hbm>>
      tpu.wait_dma2 semaphore(%arg18 : memref<!tpu.dma_semaphore, #tpu.memory_space<semaphore_mem>>) src(%arg13 : memref<80x128xf32, #tpu.memory_space<vmem>>) dst(%dma_wait3A_102 : memref<80x128xf32, #tpu.memory_space<hbm>>)
    }
    %scan3A_28 = arith.constant 62 : i32
    %dma_wait3A_29 = arith.constant 0 : i32
    %dma_wait3A_30 = tpu.memref_slice %arg8[%dma_wait3A_29] : memref<10000xi32, #tpu.memory_space<vmem>> -> memref<80xi32, #tpu.memory_space<vmem>>
    %dma_wait3A_31 = arith.constant 0 : i32
    %dma_wait3A_32 = arith.constant 0 : i32
    %dma_wait3A_33 = tpu.memref_slice %arg2[%dma_wait3A_31, %dma_wait3A_32] : memref<10000x128xf32, #tpu.memory_space<hbm>> -> memref<10000x128xf32, #tpu.memory_space<hbm>>
    tpu.wait_indirect_dma semaphore(%arg15 : memref<!tpu.dma_semaphore, #tpu.memory_space<semaphore_mem>>) src(%dma_wait3A_33 : memref<10000x128xf32, #tpu.memory_space<hbm>>) dst(%arg12 : memref<80x128xf32, #tpu.memory_space<vmem>>)
    %add3A_34 = arith.constant 9920 : i32
    %add3A_35 = arith.addi %mul3A_2, %add3A_34 : i32
    %dma_start3A_36 = arith.constant 0 : i32
    %dma_start3A_37 = tpu.memref_slice %arg6[%add3A_35, %dma_start3A_36] : memref<320000x128xf32, #tpu.memory_space<hbm>> -> memref<80x128xf32, #tpu.memory_space<hbm>>
    %dma_start3A_38 = arith.constant 0 : i32
    %dma_start3A_39 = tpu.memref_slice %arg6[%add3A_35, %dma_start3A_38] : memref<320000x128xf32, #tpu.memory_space<hbm>> -> memref<80x128xf32, #tpu.memory_space<hbm>>
    tpu.enqueue_dma source(%arg12 : memref<80x128xf32, #tpu.memory_space<vmem>>) target(%dma_start3A_39 : memref<80x128xf32, #tpu.memory_space<hbm>>) target_semaphore(%arg16 : memref<!tpu.dma_semaphore, #tpu.memory_space<semaphore_mem>>)
    %dma_wait3A_40 = arith.constant 0 : i32
    %dma_wait3A_41 = arith.constant 0 : i32
    %dma_wait3A_42 = tpu.memref_slice %arg6[%dma_wait3A_40, %dma_wait3A_41] : memref<320000x128xf32, #tpu.memory_space<hbm>> -> memref<80x128xf32, #tpu.memory_space<hbm>>
    %dma_wait3A_43 = arith.constant 0 : i32
    %dma_wait3A_44 = arith.constant 0 : i32
    %dma_wait3A_45 = tpu.memref_slice %arg6[%dma_wait3A_43, %dma_wait3A_44] : memref<320000x128xf32, #tpu.memory_space<hbm>> -> memref<80x128xf32, #tpu.memory_space<hbm>>
    tpu.wait_dma2 semaphore(%arg16 : memref<!tpu.dma_semaphore, #tpu.memory_space<semaphore_mem>>) src(%arg12 : memref<80x128xf32, #tpu.memory_space<vmem>>) dst(%dma_wait3A_45 : memref<80x128xf32, #tpu.memory_space<hbm>>)
    return
  }
}

#map = affine_map<(d0, d1) -> (0)>
module attributes {stable_mosaic.version = 14 : i64} {
  func.func @_acc_kernel(%arg0: i32, %arg1: i32, %arg2: memref<43520000xf32, #tpu.memory_space<hbm>>, %arg3: memref<320000xi32, #tpu.memory_space<hbm>>, %arg4: memref<1310720xf32, #tpu.memory_space<hbm>>, %arg5: memref<327680xf32, #tpu.memory_space<hbm>>, %arg6: memref<10240xf32, #tpu.memory_space<vmem>>, %arg7: memref<10240xf32, #tpu.memory_space<vmem>>, %arg8: memref<10240xf32, #tpu.memory_space<vmem>>, %arg9: memref<10240xf32, #tpu.memory_space<vmem>>, %arg10: memref<10240xf32, #tpu.memory_space<vmem>>, %arg11: memref<2000xi32, #tpu.memory_space<vmem>>, %arg12: memref<2000xf32, #tpu.memory_space<vmem>>, %arg13: memref<2000xf32, #tpu.memory_space<vmem>>, %arg14: memref<2000xf32, #tpu.memory_space<vmem>>, %arg15: memref<2000xf32, #tpu.memory_space<vmem>>, %arg16: memref<2000xi32, #tpu.memory_space<vmem>>, %arg17: memref<2000xf32, #tpu.memory_space<vmem>>, %arg18: memref<2000xf32, #tpu.memory_space<vmem>>, %arg19: memref<2000xf32, #tpu.memory_space<vmem>>, %arg20: memref<2000xf32, #tpu.memory_space<vmem>>, %arg21: memref<!tpu.dma_semaphore, #tpu.memory_space<semaphore_mem>>, %arg22: memref<!tpu.dma_semaphore, #tpu.memory_space<semaphore_mem>>) attributes {dimension_semantics = [#tpu.dimension_semantics<core_parallel>, #tpu.dimension_semantics<subcore_parallel>], iteration_bounds = array<i64: 2, 16>, scalar_prefetch = 0 : i64, scratch_operands = 17 : i64, tpu.core_type = #tpu.core_type<sc_vector_subcore>, window_params = [{transform_indices = #map}, {transform_indices = #map}, {transform_indices = #map}, {transform_indices = #map}]} {
    %mul3A = arith.constant 2 : i32
    %mul3A_0 = arith.muli %arg1, %mul3A : i32
    %add3A = arith.addi %mul3A_0, %arg0 : i32
    %mul3A_1 = arith.constant 4 : i32
    %mul3A_2 = arith.muli %add3A, %mul3A_1 : i32
    %broadcast_in_dim3A = arith.constant 0.000000e+00 : f32
    %broadcast_in_dim3A_3 = vector.broadcast %broadcast_in_dim3A : f32 to vector<16xf32>
    %scan3A = arith.constant 0 : i32
    %scan3A_4 = arith.constant 0 : i32
    %scan3A_5 = arith.constant 640 : i32
    %scan3A_6 = arith.addi %scan3A_4, %scan3A_5 : i32
    %scan3A_7 = arith.constant 1 : i32
    scf.for %scan3A_74 = %scan3A_4 to %scan3A_6 step %scan3A_7  : i32 {
      %mul3A_75 = arith.constant 16 : i32
      %mul3A_76 = arith.muli %scan3A_74, %mul3A_75 : i32
      %swap3A = arith.index_cast %mul3A_76 : i32 to index
      %swap3A_77 = tpu.vector_load %arg6[%swap3A] {strides = array<i32>} : memref<10240xf32, #tpu.memory_space<vmem>>, vector<16xf32>,
      tpu.vector_store %arg6[%swap3A], %broadcast_in_dim3A_3 {strides = array<i32>} : memref<10240xf32, #tpu.memory_space<vmem>>, vector<16xf32>,
      %swap3A_78 = arith.index_cast %mul3A_76 : i32 to index
      %swap3A_79 = tpu.vector_load %arg7[%swap3A_78] {strides = array<i32>} : memref<10240xf32, #tpu.memory_space<vmem>>, vector<16xf32>,
      tpu.vector_store %arg7[%swap3A_78], %broadcast_in_dim3A_3 {strides = array<i32>} : memref<10240xf32, #tpu.memory_space<vmem>>, vector<16xf32>,
      %swap3A_80 = arith.index_cast %mul3A_76 : i32 to index
      %swap3A_81 = tpu.vector_load %arg8[%swap3A_80] {strides = array<i32>} : memref<10240xf32, #tpu.memory_space<vmem>>, vector<16xf32>,
      tpu.vector_store %arg8[%swap3A_80], %broadcast_in_dim3A_3 {strides = array<i32>} : memref<10240xf32, #tpu.memory_space<vmem>>, vector<16xf32>,
      %swap3A_82 = arith.index_cast %mul3A_76 : i32 to index
      %swap3A_83 = tpu.vector_load %arg9[%swap3A_82] {strides = array<i32>} : memref<10240xf32, #tpu.memory_space<vmem>>, vector<16xf32>,
      tpu.vector_store %arg9[%swap3A_82], %broadcast_in_dim3A_3 {strides = array<i32>} : memref<10240xf32, #tpu.memory_space<vmem>>, vector<16xf32>,
      %swap3A_84 = arith.index_cast %mul3A_76 : i32 to index
      %swap3A_85 = tpu.vector_load %arg10[%swap3A_84] {strides = array<i32>} : memref<10240xf32, #tpu.memory_space<vmem>>, vector<16xf32>,
      tpu.vector_store %arg10[%swap3A_84], %broadcast_in_dim3A_3 {strides = array<i32>} : memref<10240xf32, #tpu.memory_space<vmem>>, vector<16xf32>,
    }
    %scan3A_8 = arith.constant 640 : i32
    %dma_start3A = arith.constant 0 : i32
    %dma_start3A_9 = tpu.memref_slice %arg3[%dma_start3A] : memref<320000xi32, #tpu.memory_space<hbm>> -> memref<2000xi32, #tpu.memory_space<hbm>>
    %dma_start3A_10 = arith.constant 0 : i32
    %dma_start3A_11 = tpu.memref_slice %arg3[%dma_start3A_10] : memref<320000xi32, #tpu.memory_space<hbm>> -> memref<2000xi32, #tpu.memory_space<hbm>>
    tpu.enqueue_dma source(%dma_start3A_11 : memref<2000xi32, #tpu.memory_space<hbm>>) target(%arg11 : memref<2000xi32, #tpu.memory_space<vmem>>) target_semaphore(%arg21 : memref<!tpu.dma_semaphore, #tpu.memory_space<semaphore_mem>>)
    %add3A_12 = arith.constant 0 : i32
    %add3A_13 = arith.addi %mul3A_2, %add3A_12 : i32
    %mul3A_14 = arith.constant 320000 : i32
    %mul3A_15 = arith.muli %add3A_13, %mul3A_14 : i32
    %add3A_16 = arith.constant 0 : i32
    %add3A_17 = arith.addi %mul3A_15, %add3A_16 : i32
    %dma_start3A_18 = tpu.memref_slice %arg2[%add3A_17] : memref<43520000xf32, #tpu.memory_space<hbm>> -> memref<2000xf32, #tpu.memory_space<hbm>>
    %dma_start3A_19 = tpu.memref_slice %arg2[%add3A_17] : memref<43520000xf32, #tpu.memory_space<hbm>> -> memref<2000xf32, #tpu.memory_space<hbm>>
    tpu.enqueue_dma source(%dma_start3A_19 : memref<2000xf32, #tpu.memory_space<hbm>>) target(%arg12 : memref<2000xf32, #tpu.memory_space<vmem>>) target_semaphore(%arg21 : memref<!tpu.dma_semaphore, #tpu.memory_space<semaphore_mem>>)
    %add3A_20 = arith.constant 1 : i32
    %add3A_21 = arith.addi %mul3A_2, %add3A_20 : i32
    %mul3A_22 = arith.constant 320000 : i32
    %mul3A_23 = arith.muli %add3A_21, %mul3A_22 : i32
    %add3A_24 = arith.constant 0 : i32
    %add3A_25 = arith.addi %mul3A_23, %add3A_24 : i32
    %dma_start3A_26 = tpu.memref_slice %arg2[%add3A_25] : memref<43520000xf32, #tpu.memory_space<hbm>> -> memref<2000xf32, #tpu.memory_space<hbm>>
    %dma_start3A_27 = tpu.memref_slice %arg2[%add3A_25] : memref<43520000xf32, #tpu.memory_space<hbm>> -> memref<2000xf32, #tpu.memory_space<hbm>>
    tpu.enqueue_dma source(%dma_start3A_27 : memref<2000xf32, #tpu.memory_space<hbm>>) target(%arg13 : memref<2000xf32, #tpu.memory_space<vmem>>) target_semaphore(%arg21 : memref<!tpu.dma_semaphore, #tpu.memory_space<semaphore_mem>>)
    %add3A_28 = arith.constant 2 : i32
    %add3A_29 = arith.addi %mul3A_2, %add3A_28 : i32
    %mul3A_30 = arith.constant 320000 : i32
    %mul3A_31 = arith.muli %add3A_29, %mul3A_30 : i32
    %add3A_32 = arith.constant 0 : i32
    %add3A_33 = arith.addi %mul3A_31, %add3A_32 : i32
    %dma_start3A_34 = tpu.memref_slice %arg2[%add3A_33] : memref<43520000xf32, #tpu.memory_space<hbm>> -> memref<2000xf32, #tpu.memory_space<hbm>>
    %dma_start3A_35 = tpu.memref_slice %arg2[%add3A_33] : memref<43520000xf32, #tpu.memory_space<hbm>> -> memref<2000xf32, #tpu.memory_space<hbm>>
    tpu.enqueue_dma source(%dma_start3A_35 : memref<2000xf32, #tpu.memory_space<hbm>>) target(%arg14 : memref<2000xf32, #tpu.memory_space<vmem>>) target_semaphore(%arg21 : memref<!tpu.dma_semaphore, #tpu.memory_space<semaphore_mem>>)
    %add3A_36 = arith.constant 3 : i32
    %add3A_37 = arith.addi %mul3A_2, %add3A_36 : i32
    %mul3A_38 = arith.constant 320000 : i32
    %mul3A_39 = arith.muli %add3A_37, %mul3A_38 : i32
    %add3A_40 = arith.constant 0 : i32
    %add3A_41 = arith.addi %mul3A_39, %add3A_40 : i32
    %dma_start3A_42 = tpu.memref_slice %arg2[%add3A_41] : memref<43520000xf32, #tpu.memory_space<hbm>> -> memref<2000xf32, #tpu.memory_space<hbm>>
    %dma_start3A_43 = tpu.memref_slice %arg2[%add3A_41] : memref<43520000xf32, #tpu.memory_space<hbm>> -> memref<2000xf32, #tpu.memory_space<hbm>>
    tpu.enqueue_dma source(%dma_start3A_43 : memref<2000xf32, #tpu.memory_space<hbm>>) target(%arg15 : memref<2000xf32, #tpu.memory_space<vmem>>) target_semaphore(%arg21 : memref<!tpu.dma_semaphore, #tpu.memory_space<semaphore_mem>>)
    %scan3A_44 = arith.constant 0 : i32
    %scan3A_45 = arith.constant 0 : i32
    %scan3A_46 = arith.constant 80 : i32
    %scan3A_47 = arith.addi %scan3A_45, %scan3A_46 : i32
    %scan3A_48 = arith.constant 1 : i32
    scf.for %scan3A_74 = %scan3A_45 to %scan3A_47 step %scan3A_48  : i32 {
      %mul3A_75 = arith.constant 2 : i32
      %mul3A_76 = arith.muli %mul3A_75, %scan3A_74 : i32
      %add3A_77 = arith.constant 1 : i32
      %add3A_78 = arith.addi %mul3A_76, %add3A_77 : i32
      %mul3A_79 = arith.constant 2000 : i32
      %mul3A_80 = arith.muli %add3A_78, %mul3A_79 : i32
      %dma_start3A_81 = tpu.memref_slice %arg3[%mul3A_80] : memref<320000xi32, #tpu.memory_space<hbm>> -> memref<2000xi32, #tpu.memory_space<hbm>>
      %dma_start3A_82 = tpu.memref_slice %arg3[%mul3A_80] : memref<320000xi32, #tpu.memory_space<hbm>> -> memref<2000xi32, #tpu.memory_space<hbm>>
      tpu.enqueue_dma source(%dma_start3A_82 : memref<2000xi32, #tpu.memory_space<hbm>>) target(%arg16 : memref<2000xi32, #tpu.memory_space<vmem>>) target_semaphore(%arg22 : memref<!tpu.dma_semaphore, #tpu.memory_space<semaphore_mem>>)
      %add3A_83 = arith.constant 0 : i32
      %add3A_84 = arith.addi %mul3A_2, %add3A_83 : i32
      %mul3A_85 = arith.constant 320000 : i32
      %mul3A_86 = arith.muli %add3A_84, %mul3A_85 : i32
      %add3A_87 = arith.addi %mul3A_86, %mul3A_80 : i32
      %dma_start3A_88 = tpu.memref_slice %arg2[%add3A_87] : memref<43520000xf32, #tpu.memory_space<hbm>> -> memref<2000xf32, #tpu.memory_space<hbm>>
      %dma_start3A_89 = tpu.memref_slice %arg2[%add3A_87] : memref<43520000xf32, #tpu.memory_space<hbm>> -> memref<2000xf32, #tpu.memory_space<hbm>>
      tpu.enqueue_dma source(%dma_start3A_89 : memref<2000xf32, #tpu.memory_space<hbm>>) target(%arg17 : memref<2000xf32, #tpu.memory_space<vmem>>) target_semaphore(%arg22 : memref<!tpu.dma_semaphore, #tpu.memory_space<semaphore_mem>>)
      %add3A_90 = arith.constant 1 : i32
      %add3A_91 = arith.addi %mul3A_2, %add3A_90 : i32
      %mul3A_92 = arith.constant 320000 : i32
      %mul3A_93 = arith.muli %add3A_91, %mul3A_92 : i32
      %add3A_94 = arith.addi %mul3A_93, %mul3A_80 : i32
      %dma_start3A_95 = tpu.memref_slice %arg2[%add3A_94] : memref<43520000xf32, #tpu.memory_space<hbm>> -> memref<2000xf32, #tpu.memory_space<hbm>>
      %dma_start3A_96 = tpu.memref_slice %arg2[%add3A_94] : memref<43520000xf32, #tpu.memory_space<hbm>> -> memref<2000xf32, #tpu.memory_space<hbm>>
      tpu.enqueue_dma source(%dma_start3A_96 : memref<2000xf32, #tpu.memory_space<hbm>>) target(%arg18 : memref<2000xf32, #tpu.memory_space<vmem>>) target_semaphore(%arg22 : memref<!tpu.dma_semaphore, #tpu.memory_space<semaphore_mem>>)
      %add3A_97 = arith.constant 2 : i32
      %add3A_98 = arith.addi %mul3A_2, %add3A_97 : i32
      %mul3A_99 = arith.constant 320000 : i32
      %mul3A_100 = arith.muli %add3A_98, %mul3A_99 : i32
      %add3A_101 = arith.addi %mul3A_100, %mul3A_80 : i32
      %dma_start3A_102 = tpu.memref_slice %arg2[%add3A_101] : memref<43520000xf32, #tpu.memory_space<hbm>> -> memref<2000xf32, #tpu.memory_space<hbm>>
      %dma_start3A_103 = tpu.memref_slice %arg2[%add3A_101] : memref<43520000xf32, #tpu.memory_space<hbm>> -> memref<2000xf32, #tpu.memory_space<hbm>>
      tpu.enqueue_dma source(%dma_start3A_103 : memref<2000xf32, #tpu.memory_space<hbm>>) target(%arg19 : memref<2000xf32, #tpu.memory_space<vmem>>) target_semaphore(%arg22 : memref<!tpu.dma_semaphore, #tpu.memory_space<semaphore_mem>>)
      %add3A_104 = arith.constant 3 : i32
      %add3A_105 = arith.addi %mul3A_2, %add3A_104 : i32
      %mul3A_106 = arith.constant 320000 : i32
      %mul3A_107 = arith.muli %add3A_105, %mul3A_106 : i32
      %add3A_108 = arith.addi %mul3A_107, %mul3A_80 : i32
      %dma_start3A_109 = tpu.memref_slice %arg2[%add3A_108] : memref<43520000xf32, #tpu.memory_space<hbm>> -> memref<2000xf32, #tpu.memory_space<hbm>>
      %dma_start3A_110 = tpu.memref_slice %arg2[%add3A_108] : memref<43520000xf32, #tpu.memory_space<hbm>> -> memref<2000xf32, #tpu.memory_space<hbm>>
      tpu.enqueue_dma source(%dma_start3A_110 : memref<2000xf32, #tpu.memory_space<hbm>>) target(%arg20 : memref<2000xf32, #tpu.memory_space<vmem>>) target_semaphore(%arg22 : memref<!tpu.dma_semaphore, #tpu.memory_space<semaphore_mem>>)
      %dma_wait3A = arith.constant 0 : i32
      %dma_wait3A_111 = tpu.memref_slice %arg3[%dma_wait3A] : memref<320000xi32, #tpu.memory_space<hbm>> -> memref<2000xi32, #tpu.memory_space<hbm>>
      %dma_wait3A_112 = arith.constant 0 : i32
      %dma_wait3A_113 = tpu.memref_slice %arg3[%dma_wait3A_112] : memref<320000xi32, #tpu.memory_space<hbm>> -> memref<2000xi32, #tpu.memory_space<hbm>>
      tpu.wait_dma2 semaphore(%arg21 : memref<!tpu.dma_semaphore, #tpu.memory_space<semaphore_mem>>) src(%dma_wait3A_113 : memref<2000xi32, #tpu.memory_space<hbm>>) dst(%arg11 : memref<2000xi32, #tpu.memory_space<vmem>>)
      %dma_wait3A_114 = arith.constant 0 : i32
      %dma_wait3A_115 = tpu.memref_slice %arg2[%dma_wait3A_114] : memref<43520000xf32, #tpu.memory_space<hbm>> -> memref<2000xf32, #tpu.memory_space<hbm>>
      %dma_wait3A_116 = arith.constant 0 : i32
      %dma_wait3A_117 = tpu.memref_slice %arg2[%dma_wait3A_116] : memref<43520000xf32, #tpu.memory_space<hbm>> -> memref<2000xf32, #tpu.memory_space<hbm>>
      tpu.wait_dma2 semaphore(%arg21 : memref<!tpu.dma_semaphore, #tpu.memory_space<semaphore_mem>>) src(%dma_wait3A_117 : memref<2000xf32, #tpu.memory_space<hbm>>) dst(%arg12 : memref<2000xf32, #tpu.memory_space<vmem>>)
      %dma_wait3A_118 = arith.constant 0 : i32
      %dma_wait3A_119 = tpu.memref_slice %arg2[%dma_wait3A_118] : memref<43520000xf32, #tpu.memory_space<hbm>> -> memref<2000xf32, #tpu.memory_space<hbm>>
      %dma_wait3A_120 = arith.constant 0 : i32
      %dma_wait3A_121 = tpu.memref_slice %arg2[%dma_wait3A_120] : memref<43520000xf32, #tpu.memory_space<hbm>> -> memref<2000xf32, #tpu.memory_space<hbm>>
      tpu.wait_dma2 semaphore(%arg21 : memref<!tpu.dma_semaphore, #tpu.memory_space<semaphore_mem>>) src(%dma_wait3A_121 : memref<2000xf32, #tpu.memory_space<hbm>>) dst(%arg13 : memref<2000xf32, #tpu.memory_space<vmem>>)
      %dma_wait3A_122 = arith.constant 0 : i32
      %dma_wait3A_123 = tpu.memref_slice %arg2[%dma_wait3A_122] : memref<43520000xf32, #tpu.memory_space<hbm>> -> memref<2000xf32, #tpu.memory_space<hbm>>
      %dma_wait3A_124 = arith.constant 0 : i32
      %dma_wait3A_125 = tpu.memref_slice %arg2[%dma_wait3A_124] : memref<43520000xf32, #tpu.memory_space<hbm>> -> memref<2000xf32, #tpu.memory_space<hbm>>
      tpu.wait_dma2 semaphore(%arg21 : memref<!tpu.dma_semaphore, #tpu.memory_space<semaphore_mem>>) src(%dma_wait3A_125 : memref<2000xf32, #tpu.memory_space<hbm>>) dst(%arg14 : memref<2000xf32, #tpu.memory_space<vmem>>)
      %dma_wait3A_126 = arith.constant 0 : i32
      %dma_wait3A_127 = tpu.memref_slice %arg2[%dma_wait3A_126] : memref<43520000xf32, #tpu.memory_space<hbm>> -> memref<2000xf32, #tpu.memory_space<hbm>>
      %dma_wait3A_128 = arith.constant 0 : i32
      %dma_wait3A_129 = tpu.memref_slice %arg2[%dma_wait3A_128] : memref<43520000xf32, #tpu.memory_space<hbm>> -> memref<2000xf32, #tpu.memory_space<hbm>>
      tpu.wait_dma2 semaphore(%arg21 : memref<!tpu.dma_semaphore, #tpu.memory_space<semaphore_mem>>) src(%dma_wait3A_129 : memref<2000xf32, #tpu.memory_space<hbm>>) dst(%arg15 : memref<2000xf32, #tpu.memory_space<vmem>>)
      %scan3A_130 = arith.constant 0 : i32
      %scan3A_131 = arith.constant 0 : i32
      %scan3A_132 = arith.constant 25 : i32
      %scan3A_133 = arith.addi %scan3A_131, %scan3A_132 : i32
      %scan3A_134 = arith.constant 1 : i32
      scf.for %scan3A_164 = %scan3A_131 to %scan3A_133 step %scan3A_134  : i32 {
        %mul3A_165 = arith.constant 5 : i32
        %mul3A_166 = arith.muli %scan3A_164, %mul3A_165 : i32
        %add3A_167 = arith.constant 0 : i32
        %add3A_168 = arith.addi %mul3A_166, %add3A_167 : i32
        %mul3A_169 = arith.constant 16 : i32
        %mul3A_170 = arith.muli %add3A_168, %mul3A_169 : i32
        %get3A = arith.index_cast %mul3A_170 : i32 to index
        %get3A_171 = tpu.vector_load %arg11[%get3A] {strides = array<i32>} : memref<2000xi32, #tpu.memory_space<vmem>>, vector<16xi32>,
        %get3A_172 = arith.index_cast %mul3A_170 : i32 to index
        %get3A_173 = tpu.vector_load %arg12[%get3A_172] {strides = array<i32>} : memref<2000xf32, #tpu.memory_space<vmem>>, vector<16xf32>,
        tpu.vector_store_idx %arg6[%get3A_171], %get3A_173 {add = true} : memref<10240xf32, #tpu.memory_space<vmem>>[vector<16xi32>], vector<16xf32>,
        %get3A_174 = arith.index_cast %mul3A_170 : i32 to index
        %get3A_175 = tpu.vector_load %arg13[%get3A_174] {strides = array<i32>} : memref<2000xf32, #tpu.memory_space<vmem>>, vector<16xf32>,
        tpu.vector_store_idx %arg7[%get3A_171], %get3A_175 {add = true} : memref<10240xf32, #tpu.memory_space<vmem>>[vector<16xi32>], vector<16xf32>,
        %get3A_176 = arith.index_cast %mul3A_170 : i32 to index
        %get3A_177 = tpu.vector_load %arg14[%get3A_176] {strides = array<i32>} : memref<2000xf32, #tpu.memory_space<vmem>>, vector<16xf32>,
        tpu.vector_store_idx %arg8[%get3A_171], %get3A_177 {add = true} : memref<10240xf32, #tpu.memory_space<vmem>>[vector<16xi32>], vector<16xf32>,
        %get3A_178 = arith.index_cast %mul3A_170 : i32 to index
        %get3A_179 = tpu.vector_load %arg15[%get3A_178] {strides = array<i32>} : memref<2000xf32, #tpu.memory_space<vmem>>, vector<16xf32>,
        tpu.vector_store_idx %arg9[%get3A_171], %get3A_179 {add = true} : memref<10240xf32, #tpu.memory_space<vmem>>[vector<16xi32>], vector<16xf32>,
        %mul3A_180 = arith.constant 5 : i32
        %mul3A_181 = arith.muli %scan3A_164, %mul3A_180 : i32
        %add3A_182 = arith.constant 1 : i32
        %add3A_183 = arith.addi %mul3A_181, %add3A_182 : i32
        %mul3A_184 = arith.constant 16 : i32
        %mul3A_185 = arith.muli %add3A_183, %mul3A_184 : i32
        %get3A_186 = arith.index_cast %mul3A_185 : i32 to index
        %get3A_187 = tpu.vector_load %arg11[%get3A_186] {strides = array<i32>} : memref<2000xi32, #tpu.memory_space<vmem>>, vector<16xi32>,
        %get3A_188 = arith.index_cast %mul3A_185 : i32 to index
        %get3A_189 = tpu.vector_load %arg12[%get3A_188] {strides = array<i32>} : memref<2000xf32, #tpu.memory_space<vmem>>, vector<16xf32>,
        tpu.vector_store_idx %arg6[%get3A_187], %get3A_189 {add = true} : memref<10240xf32, #tpu.memory_space<vmem>>[vector<16xi32>], vector<16xf32>,
        %get3A_190 = arith.index_cast %mul3A_185 : i32 to index
        %get3A_191 = tpu.vector_load %arg13[%get3A_190] {strides = array<i32>} : memref<2000xf32, #tpu.memory_space<vmem>>, vector<16xf32>,
        tpu.vector_store_idx %arg7[%get3A_187], %get3A_191 {add = true} : memref<10240xf32, #tpu.memory_space<vmem>>[vector<16xi32>], vector<16xf32>,
        %get3A_192 = arith.index_cast %mul3A_185 : i32 to index
        %get3A_193 = tpu.vector_load %arg14[%get3A_192] {strides = array<i32>} : memref<2000xf32, #tpu.memory_space<vmem>>, vector<16xf32>,
        tpu.vector_store_idx %arg8[%get3A_187], %get3A_193 {add = true} : memref<10240xf32, #tpu.memory_space<vmem>>[vector<16xi32>], vector<16xf32>,
        %get3A_194 = arith.index_cast %mul3A_185 : i32 to index
        %get3A_195 = tpu.vector_load %arg15[%get3A_194] {strides = array<i32>} : memref<2000xf32, #tpu.memory_space<vmem>>, vector<16xf32>,
        tpu.vector_store_idx %arg9[%get3A_187], %get3A_195 {add = true} : memref<10240xf32, #tpu.memory_space<vmem>>[vector<16xi32>], vector<16xf32>,
        %mul3A_196 = arith.constant 5 : i32
        %mul3A_197 = arith.muli %scan3A_164, %mul3A_196 : i32
        %add3A_198 = arith.constant 2 : i32
        %add3A_199 = arith.addi %mul3A_197, %add3A_198 : i32
        %mul3A_200 = arith.constant 16 : i32
        %mul3A_201 = arith.muli %add3A_199, %mul3A_200 : i32
        %get3A_202 = arith.index_cast %mul3A_201 : i32 to index
        %get3A_203 = tpu.vector_load %arg11[%get3A_202] {strides = array<i32>} : memref<2000xi32, #tpu.memory_space<vmem>>, vector<16xi32>,
        %get3A_204 = arith.index_cast %mul3A_201 : i32 to index
        %get3A_205 = tpu.vector_load %arg12[%get3A_204] {strides = array<i32>} : memref<2000xf32, #tpu.memory_space<vmem>>, vector<16xf32>,
        tpu.vector_store_idx %arg6[%get3A_203], %get3A_205 {add = true} : memref<10240xf32, #tpu.memory_space<vmem>>[vector<16xi32>], vector<16xf32>,
        %get3A_206 = arith.index_cast %mul3A_201 : i32 to index
        %get3A_207 = tpu.vector_load %arg13[%get3A_206] {strides = array<i32>} : memref<2000xf32, #tpu.memory_space<vmem>>, vector<16xf32>,
        tpu.vector_store_idx %arg7[%get3A_203], %get3A_207 {add = true} : memref<10240xf32, #tpu.memory_space<vmem>>[vector<16xi32>], vector<16xf32>,
        %get3A_208 = arith.index_cast %mul3A_201 : i32 to index
        %get3A_209 = tpu.vector_load %arg14[%get3A_208] {strides = array<i32>} : memref<2000xf32, #tpu.memory_space<vmem>>, vector<16xf32>,
        tpu.vector_store_idx %arg8[%get3A_203], %get3A_209 {add = true} : memref<10240xf32, #tpu.memory_space<vmem>>[vector<16xi32>], vector<16xf32>,
        %get3A_210 = arith.index_cast %mul3A_201 : i32 to index
        %get3A_211 = tpu.vector_load %arg15[%get3A_210] {strides = array<i32>} : memref<2000xf32, #tpu.memory_space<vmem>>, vector<16xf32>,
        tpu.vector_store_idx %arg9[%get3A_203], %get3A_211 {add = true} : memref<10240xf32, #tpu.memory_space<vmem>>[vector<16xi32>], vector<16xf32>,
        %mul3A_212 = arith.constant 5 : i32
        %mul3A_213 = arith.muli %scan3A_164, %mul3A_212 : i32
        %add3A_214 = arith.constant 3 : i32
        %add3A_215 = arith.addi %mul3A_213, %add3A_214 : i32
        %mul3A_216 = arith.constant 16 : i32
        %mul3A_217 = arith.muli %add3A_215, %mul3A_216 : i32
        %get3A_218 = arith.index_cast %mul3A_217 : i32 to index
        %get3A_219 = tpu.vector_load %arg11[%get3A_218] {strides = array<i32>} : memref<2000xi32, #tpu.memory_space<vmem>>, vector<16xi32>,
        %get3A_220 = arith.index_cast %mul3A_217 : i32 to index
        %get3A_221 = tpu.vector_load %arg12[%get3A_220] {strides = array<i32>} : memref<2000xf32, #tpu.memory_space<vmem>>, vector<16xf32>,
        tpu.vector_store_idx %arg6[%get3A_219], %get3A_221 {add = true} : memref<10240xf32, #tpu.memory_space<vmem>>[vector<16xi32>], vector<16xf32>,
        %get3A_222 = arith.index_cast %mul3A_217 : i32 to index
        %get3A_223 = tpu.vector_load %arg13[%get3A_222] {strides = array<i32>} : memref<2000xf32, #tpu.memory_space<vmem>>, vector<16xf32>,
        tpu.vector_store_idx %arg7[%get3A_219], %get3A_223 {add = true} : memref<10240xf32, #tpu.memory_space<vmem>>[vector<16xi32>], vector<16xf32>,
        %get3A_224 = arith.index_cast %mul3A_217 : i32 to index
        %get3A_225 = tpu.vector_load %arg14[%get3A_224] {strides = array<i32>} : memref<2000xf32, #tpu.memory_space<vmem>>, vector<16xf32>,
        tpu.vector_store_idx %arg8[%get3A_219], %get3A_225 {add = true} : memref<10240xf32, #tpu.memory_space<vmem>>[vector<16xi32>], vector<16xf32>,
        %get3A_226 = arith.index_cast %mul3A_217 : i32 to index
        %get3A_227 = tpu.vector_load %arg15[%get3A_226] {strides = array<i32>} : memref<2000xf32, #tpu.memory_space<vmem>>, vector<16xf32>,
        tpu.vector_store_idx %arg9[%get3A_219], %get3A_227 {add = true} : memref<10240xf32, #tpu.memory_space<vmem>>[vector<16xi32>], vector<16xf32>,
        %mul3A_228 = arith.constant 5 : i32
        %mul3A_229 = arith.muli %scan3A_164, %mul3A_228 : i32
        %add3A_230 = arith.constant 4 : i32
        %add3A_231 = arith.addi %mul3A_229, %add3A_230 : i32
        %mul3A_232 = arith.constant 16 : i32
        %mul3A_233 = arith.muli %add3A_231, %mul3A_232 : i32
        %get3A_234 = arith.index_cast %mul3A_233 : i32 to index
        %get3A_235 = tpu.vector_load %arg11[%get3A_234] {strides = array<i32>} : memref<2000xi32, #tpu.memory_space<vmem>>, vector<16xi32>,
        %get3A_236 = arith.index_cast %mul3A_233 : i32 to index
        %get3A_237 = tpu.vector_load %arg12[%get3A_236] {strides = array<i32>} : memref<2000xf32, #tpu.memory_space<vmem>>, vector<16xf32>,
        tpu.vector_store_idx %arg6[%get3A_235], %get3A_237 {add = true} : memref<10240xf32, #tpu.memory_space<vmem>>[vector<16xi32>], vector<16xf32>,
        %get3A_238 = arith.index_cast %mul3A_233 : i32 to index
        %get3A_239 = tpu.vector_load %arg13[%get3A_238] {strides = array<i32>} : memref<2000xf32, #tpu.memory_space<vmem>>, vector<16xf32>,
        tpu.vector_store_idx %arg7[%get3A_235], %get3A_239 {add = true} : memref<10240xf32, #tpu.memory_space<vmem>>[vector<16xi32>], vector<16xf32>,
        %get3A_240 = arith.index_cast %mul3A_233 : i32 to index
        %get3A_241 = tpu.vector_load %arg14[%get3A_240] {strides = array<i32>} : memref<2000xf32, #tpu.memory_space<vmem>>, vector<16xf32>,
        tpu.vector_store_idx %arg8[%get3A_235], %get3A_241 {add = true} : memref<10240xf32, #tpu.memory_space<vmem>>[vector<16xi32>], vector<16xf32>,
        %get3A_242 = arith.index_cast %mul3A_233 : i32 to index
        %get3A_243 = tpu.vector_load %arg15[%get3A_242] {strides = array<i32>} : memref<2000xf32, #tpu.memory_space<vmem>>, vector<16xf32>,
        tpu.vector_store_idx %arg9[%get3A_235], %get3A_243 {add = true} : memref<10240xf32, #tpu.memory_space<vmem>>[vector<16xi32>], vector<16xf32>,
      }
      %scan3A_135 = arith.constant 25 : i32
      %lt3A = arith.constant 79 : i32
      %lt3A_136 = arith.cmpi slt, %scan3A_74, %lt3A : i32
      %convert_element_type3A = arith.extui %lt3A_136 : i1 to i32
      %cond3A = arith.constant 0 : i32
      %cond3A_137 = arith.cmpi ne, %convert_element_type3A, %cond3A : i32
      scf.if %cond3A_137 {
        %add3A_164 = arith.constant 2 : i32
        %add3A_165 = arith.addi %mul3A_76, %add3A_164 : i32
        %mul3A_166 = arith.constant 2000 : i32
        %mul3A_167 = arith.muli %add3A_165, %mul3A_166 : i32
        %dma_start3A_168 = tpu.memref_slice %arg3[%mul3A_167] : memref<320000xi32, #tpu.memory_space<hbm>> -> memref<2000xi32, #tpu.memory_space<hbm>>
        %dma_start3A_169 = tpu.memref_slice %arg3[%mul3A_167] : memref<320000xi32, #tpu.memory_space<hbm>> -> memref<2000xi32, #tpu.memory_space<hbm>>
        tpu.enqueue_dma source(%dma_start3A_169 : memref<2000xi32, #tpu.memory_space<hbm>>) target(%arg11 : memref<2000xi32, #tpu.memory_space<vmem>>) target_semaphore(%arg21 : memref<!tpu.dma_semaphore, #tpu.memory_space<semaphore_mem>>)
        %add3A_170 = arith.constant 0 : i32
        %add3A_171 = arith.addi %mul3A_2, %add3A_170 : i32
        %mul3A_172 = arith.constant 320000 : i32
        %mul3A_173 = arith.muli %add3A_171, %mul3A_172 : i32
        %add3A_174 = arith.addi %mul3A_173, %mul3A_167 : i32
        %dma_start3A_175 = tpu.memref_slice %arg2[%add3A_174] : memref<43520000xf32, #tpu.memory_space<hbm>> -> memref<2000xf32, #tpu.memory_space<hbm>>
        %dma_start3A_176 = tpu.memref_slice %arg2[%add3A_174] : memref<43520000xf32, #tpu.memory_space<hbm>> -> memref<2000xf32, #tpu.memory_space<hbm>>
        tpu.enqueue_dma source(%dma_start3A_176 : memref<2000xf32, #tpu.memory_space<hbm>>) target(%arg12 : memref<2000xf32, #tpu.memory_space<vmem>>) target_semaphore(%arg21 : memref<!tpu.dma_semaphore, #tpu.memory_space<semaphore_mem>>)
        %add3A_177 = arith.constant 1 : i32
        %add3A_178 = arith.addi %mul3A_2, %add3A_177 : i32
        %mul3A_179 = arith.constant 320000 : i32
        %mul3A_180 = arith.muli %add3A_178, %mul3A_179 : i32
        %add3A_181 = arith.addi %mul3A_180, %mul3A_167 : i32
        %dma_start3A_182 = tpu.memref_slice %arg2[%add3A_181] : memref<43520000xf32, #tpu.memory_space<hbm>> -> memref<2000xf32, #tpu.memory_space<hbm>>
        %dma_start3A_183 = tpu.memref_slice %arg2[%add3A_181] : memref<43520000xf32, #tpu.memory_space<hbm>> -> memref<2000xf32, #tpu.memory_space<hbm>>
        tpu.enqueue_dma source(%dma_start3A_183 : memref<2000xf32, #tpu.memory_space<hbm>>) target(%arg13 : memref<2000xf32, #tpu.memory_space<vmem>>) target_semaphore(%arg21 : memref<!tpu.dma_semaphore, #tpu.memory_space<semaphore_mem>>)
        %add3A_184 = arith.constant 2 : i32
        %add3A_185 = arith.addi %mul3A_2, %add3A_184 : i32
        %mul3A_186 = arith.constant 320000 : i32
        %mul3A_187 = arith.muli %add3A_185, %mul3A_186 : i32
        %add3A_188 = arith.addi %mul3A_187, %mul3A_167 : i32
        %dma_start3A_189 = tpu.memref_slice %arg2[%add3A_188] : memref<43520000xf32, #tpu.memory_space<hbm>> -> memref<2000xf32, #tpu.memory_space<hbm>>
        %dma_start3A_190 = tpu.memref_slice %arg2[%add3A_188] : memref<43520000xf32, #tpu.memory_space<hbm>> -> memref<2000xf32, #tpu.memory_space<hbm>>
        tpu.enqueue_dma source(%dma_start3A_190 : memref<2000xf32, #tpu.memory_space<hbm>>) target(%arg14 : memref<2000xf32, #tpu.memory_space<vmem>>) target_semaphore(%arg21 : memref<!tpu.dma_semaphore, #tpu.memory_space<semaphore_mem>>)
        %add3A_191 = arith.constant 3 : i32
        %add3A_192 = arith.addi %mul3A_2, %add3A_191 : i32
        %mul3A_193 = arith.constant 320000 : i32
        %mul3A_194 = arith.muli %add3A_192, %mul3A_193 : i32
        %add3A_195 = arith.addi %mul3A_194, %mul3A_167 : i32
        %dma_start3A_196 = tpu.memref_slice %arg2[%add3A_195] : memref<43520000xf32, #tpu.memory_space<hbm>> -> memref<2000xf32, #tpu.memory_space<hbm>>
        %dma_start3A_197 = tpu.memref_slice %arg2[%add3A_195] : memref<43520000xf32, #tpu.memory_space<hbm>> -> memref<2000xf32, #tpu.memory_space<hbm>>
        tpu.enqueue_dma source(%dma_start3A_197 : memref<2000xf32, #tpu.memory_space<hbm>>) target(%arg15 : memref<2000xf32, #tpu.memory_space<vmem>>) target_semaphore(%arg21 : memref<!tpu.dma_semaphore, #tpu.memory_space<semaphore_mem>>)
      } else {
      }
      %dma_wait3A_138 = arith.constant 0 : i32
      %dma_wait3A_139 = tpu.memref_slice %arg3[%dma_wait3A_138] : memref<320000xi32, #tpu.memory_space<hbm>> -> memref<2000xi32, #tpu.memory_space<hbm>>
      %dma_wait3A_140 = arith.constant 0 : i32
      %dma_wait3A_141 = tpu.memref_slice %arg3[%dma_wait3A_140] : memref<320000xi32, #tpu.memory_space<hbm>> -> memref<2000xi32, #tpu.memory_space<hbm>>
      tpu.wait_dma2 semaphore(%arg22 : memref<!tpu.dma_semaphore, #tpu.memory_space<semaphore_mem>>) src(%dma_wait3A_141 : memref<2000xi32, #tpu.memory_space<hbm>>) dst(%arg16 : memref<2000xi32, #tpu.memory_space<vmem>>)
      %dma_wait3A_142 = arith.constant 0 : i32
      %dma_wait3A_143 = tpu.memref_slice %arg2[%dma_wait3A_142] : memref<43520000xf32, #tpu.memory_space<hbm>> -> memref<2000xf32, #tpu.memory_space<hbm>>
      %dma_wait3A_144 = arith.constant 0 : i32
      %dma_wait3A_145 = tpu.memref_slice %arg2[%dma_wait3A_144] : memref<43520000xf32, #tpu.memory_space<hbm>> -> memref<2000xf32, #tpu.memory_space<hbm>>
      tpu.wait_dma2 semaphore(%arg22 : memref<!tpu.dma_semaphore, #tpu.memory_space<semaphore_mem>>) src(%dma_wait3A_145 : memref<2000xf32, #tpu.memory_space<hbm>>) dst(%arg17 : memref<2000xf32, #tpu.memory_space<vmem>>)
      %dma_wait3A_146 = arith.constant 0 : i32
      %dma_wait3A_147 = tpu.memref_slice %arg2[%dma_wait3A_146] : memref<43520000xf32, #tpu.memory_space<hbm>> -> memref<2000xf32, #tpu.memory_space<hbm>>
      %dma_wait3A_148 = arith.constant 0 : i32
      %dma_wait3A_149 = tpu.memref_slice %arg2[%dma_wait3A_148] : memref<43520000xf32, #tpu.memory_space<hbm>> -> memref<2000xf32, #tpu.memory_space<hbm>>
      tpu.wait_dma2 semaphore(%arg22 : memref<!tpu.dma_semaphore, #tpu.memory_space<semaphore_mem>>) src(%dma_wait3A_149 : memref<2000xf32, #tpu.memory_space<hbm>>) dst(%arg18 : memref<2000xf32, #tpu.memory_space<vmem>>)
      %dma_wait3A_150 = arith.constant 0 : i32
      %dma_wait3A_151 = tpu.memref_slice %arg2[%dma_wait3A_150] : memref<43520000xf32, #tpu.memory_space<hbm>> -> memref<2000xf32, #tpu.memory_space<hbm>>
      %dma_wait3A_152 = arith.constant 0 : i32
      %dma_wait3A_153 = tpu.memref_slice %arg2[%dma_wait3A_152] : memref<43520000xf32, #tpu.memory_space<hbm>> -> memref<2000xf32, #tpu.memory_space<hbm>>
      tpu.wait_dma2 semaphore(%arg22 : memref<!tpu.dma_semaphore, #tpu.memory_space<semaphore_mem>>) src(%dma_wait3A_153 : memref<2000xf32, #tpu.memory_space<hbm>>) dst(%arg19 : memref<2000xf32, #tpu.memory_space<vmem>>)
      %dma_wait3A_154 = arith.constant 0 : i32
      %dma_wait3A_155 = tpu.memref_slice %arg2[%dma_wait3A_154] : memref<43520000xf32, #tpu.memory_space<hbm>> -> memref<2000xf32, #tpu.memory_space<hbm>>
      %dma_wait3A_156 = arith.constant 0 : i32
      %dma_wait3A_157 = tpu.memref_slice %arg2[%dma_wait3A_156] : memref<43520000xf32, #tpu.memory_space<hbm>> -> memref<2000xf32, #tpu.memory_space<hbm>>
      tpu.wait_dma2 semaphore(%arg22 : memref<!tpu.dma_semaphore, #tpu.memory_space<semaphore_mem>>) src(%dma_wait3A_157 : memref<2000xf32, #tpu.memory_space<hbm>>) dst(%arg20 : memref<2000xf32, #tpu.memory_space<vmem>>)
      %scan3A_158 = arith.constant 0 : i32
      %scan3A_159 = arith.constant 0 : i32
      %scan3A_160 = arith.constant 25 : i32
      %scan3A_161 = arith.addi %scan3A_159, %scan3A_160 : i32
      %scan3A_162 = arith.constant 1 : i32
      scf.for %scan3A_164 = %scan3A_159 to %scan3A_161 step %scan3A_162  : i32 {
        %mul3A_165 = arith.constant 5 : i32
        %mul3A_166 = arith.muli %scan3A_164, %mul3A_165 : i32
        %add3A_167 = arith.constant 0 : i32
        %add3A_168 = arith.addi %mul3A_166, %add3A_167 : i32
        %mul3A_169 = arith.constant 16 : i32
        %mul3A_170 = arith.muli %add3A_168, %mul3A_169 : i32
        %get3A = arith.index_cast %mul3A_170 : i32 to index
        %get3A_171 = tpu.vector_load %arg16[%get3A] {strides = array<i32>} : memref<2000xi32, #tpu.memory_space<vmem>>, vector<16xi32>,
        %get3A_172 = arith.index_cast %mul3A_170 : i32 to index
        %get3A_173 = tpu.vector_load %arg17[%get3A_172] {strides = array<i32>} : memref<2000xf32, #tpu.memory_space<vmem>>, vector<16xf32>,
        tpu.vector_store_idx %arg6[%get3A_171], %get3A_173 {add = true} : memref<10240xf32, #tpu.memory_space<vmem>>[vector<16xi32>], vector<16xf32>,
        %get3A_174 = arith.index_cast %mul3A_170 : i32 to index
        %get3A_175 = tpu.vector_load %arg18[%get3A_174] {strides = array<i32>} : memref<2000xf32, #tpu.memory_space<vmem>>, vector<16xf32>,
        tpu.vector_store_idx %arg7[%get3A_171], %get3A_175 {add = true} : memref<10240xf32, #tpu.memory_space<vmem>>[vector<16xi32>], vector<16xf32>,
        %get3A_176 = arith.index_cast %mul3A_170 : i32 to index
        %get3A_177 = tpu.vector_load %arg19[%get3A_176] {strides = array<i32>} : memref<2000xf32, #tpu.memory_space<vmem>>, vector<16xf32>,
        tpu.vector_store_idx %arg8[%get3A_171], %get3A_177 {add = true} : memref<10240xf32, #tpu.memory_space<vmem>>[vector<16xi32>], vector<16xf32>,
        %get3A_178 = arith.index_cast %mul3A_170 : i32 to index
        %get3A_179 = tpu.vector_load %arg20[%get3A_178] {strides = array<i32>} : memref<2000xf32, #tpu.memory_space<vmem>>, vector<16xf32>,
        tpu.vector_store_idx %arg9[%get3A_171], %get3A_179 {add = true} : memref<10240xf32, #tpu.memory_space<vmem>>[vector<16xi32>], vector<16xf32>,
        %mul3A_180 = arith.constant 5 : i32
        %mul3A_181 = arith.muli %scan3A_164, %mul3A_180 : i32
        %add3A_182 = arith.constant 1 : i32
        %add3A_183 = arith.addi %mul3A_181, %add3A_182 : i32
        %mul3A_184 = arith.constant 16 : i32
        %mul3A_185 = arith.muli %add3A_183, %mul3A_184 : i32
        %get3A_186 = arith.index_cast %mul3A_185 : i32 to index
        %get3A_187 = tpu.vector_load %arg16[%get3A_186] {strides = array<i32>} : memref<2000xi32, #tpu.memory_space<vmem>>, vector<16xi32>,
        %get3A_188 = arith.index_cast %mul3A_185 : i32 to index
        %get3A_189 = tpu.vector_load %arg17[%get3A_188] {strides = array<i32>} : memref<2000xf32, #tpu.memory_space<vmem>>, vector<16xf32>,
        tpu.vector_store_idx %arg6[%get3A_187], %get3A_189 {add = true} : memref<10240xf32, #tpu.memory_space<vmem>>[vector<16xi32>], vector<16xf32>,
        %get3A_190 = arith.index_cast %mul3A_185 : i32 to index
        %get3A_191 = tpu.vector_load %arg18[%get3A_190] {strides = array<i32>} : memref<2000xf32, #tpu.memory_space<vmem>>, vector<16xf32>,
        tpu.vector_store_idx %arg7[%get3A_187], %get3A_191 {add = true} : memref<10240xf32, #tpu.memory_space<vmem>>[vector<16xi32>], vector<16xf32>,
        %get3A_192 = arith.index_cast %mul3A_185 : i32 to index
        %get3A_193 = tpu.vector_load %arg19[%get3A_192] {strides = array<i32>} : memref<2000xf32, #tpu.memory_space<vmem>>, vector<16xf32>,
        tpu.vector_store_idx %arg8[%get3A_187], %get3A_193 {add = true} : memref<10240xf32, #tpu.memory_space<vmem>>[vector<16xi32>], vector<16xf32>,
        %get3A_194 = arith.index_cast %mul3A_185 : i32 to index
        %get3A_195 = tpu.vector_load %arg20[%get3A_194] {strides = array<i32>} : memref<2000xf32, #tpu.memory_space<vmem>>, vector<16xf32>,
        tpu.vector_store_idx %arg9[%get3A_187], %get3A_195 {add = true} : memref<10240xf32, #tpu.memory_space<vmem>>[vector<16xi32>], vector<16xf32>,
        %mul3A_196 = arith.constant 5 : i32
        %mul3A_197 = arith.muli %scan3A_164, %mul3A_196 : i32
        %add3A_198 = arith.constant 2 : i32
        %add3A_199 = arith.addi %mul3A_197, %add3A_198 : i32
        %mul3A_200 = arith.constant 16 : i32
        %mul3A_201 = arith.muli %add3A_199, %mul3A_200 : i32
        %get3A_202 = arith.index_cast %mul3A_201 : i32 to index
        %get3A_203 = tpu.vector_load %arg16[%get3A_202] {strides = array<i32>} : memref<2000xi32, #tpu.memory_space<vmem>>, vector<16xi32>,
        %get3A_204 = arith.index_cast %mul3A_201 : i32 to index
        %get3A_205 = tpu.vector_load %arg17[%get3A_204] {strides = array<i32>} : memref<2000xf32, #tpu.memory_space<vmem>>, vector<16xf32>,
        tpu.vector_store_idx %arg6[%get3A_203], %get3A_205 {add = true} : memref<10240xf32, #tpu.memory_space<vmem>>[vector<16xi32>], vector<16xf32>,
        %get3A_206 = arith.index_cast %mul3A_201 : i32 to index
        %get3A_207 = tpu.vector_load %arg18[%get3A_206] {strides = array<i32>} : memref<2000xf32, #tpu.memory_space<vmem>>, vector<16xf32>,
        tpu.vector_store_idx %arg7[%get3A_203], %get3A_207 {add = true} : memref<10240xf32, #tpu.memory_space<vmem>>[vector<16xi32>], vector<16xf32>,
        %get3A_208 = arith.index_cast %mul3A_201 : i32 to index
        %get3A_209 = tpu.vector_load %arg19[%get3A_208] {strides = array<i32>} : memref<2000xf32, #tpu.memory_space<vmem>>, vector<16xf32>,
        tpu.vector_store_idx %arg8[%get3A_203], %get3A_209 {add = true} : memref<10240xf32, #tpu.memory_space<vmem>>[vector<16xi32>], vector<16xf32>,
        %get3A_210 = arith.index_cast %mul3A_201 : i32 to index
        %get3A_211 = tpu.vector_load %arg20[%get3A_210] {strides = array<i32>} : memref<2000xf32, #tpu.memory_space<vmem>>, vector<16xf32>,
        tpu.vector_store_idx %arg9[%get3A_203], %get3A_211 {add = true} : memref<10240xf32, #tpu.memory_space<vmem>>[vector<16xi32>], vector<16xf32>,
        %mul3A_212 = arith.constant 5 : i32
        %mul3A_213 = arith.muli %scan3A_164, %mul3A_212 : i32
        %add3A_214 = arith.constant 3 : i32
        %add3A_215 = arith.addi %mul3A_213, %add3A_214 : i32
        %mul3A_216 = arith.constant 16 : i32
        %mul3A_217 = arith.muli %add3A_215, %mul3A_216 : i32
        %get3A_218 = arith.index_cast %mul3A_217 : i32 to index
        %get3A_219 = tpu.vector_load %arg16[%get3A_218] {strides = array<i32>} : memref<2000xi32, #tpu.memory_space<vmem>>, vector<16xi32>,
        %get3A_220 = arith.index_cast %mul3A_217 : i32 to index
        %get3A_221 = tpu.vector_load %arg17[%get3A_220] {strides = array<i32>} : memref<2000xf32, #tpu.memory_space<vmem>>, vector<16xf32>,
        tpu.vector_store_idx %arg6[%get3A_219], %get3A_221 {add = true} : memref<10240xf32, #tpu.memory_space<vmem>>[vector<16xi32>], vector<16xf32>,
        %get3A_222 = arith.index_cast %mul3A_217 : i32 to index
        %get3A_223 = tpu.vector_load %arg18[%get3A_222] {strides = array<i32>} : memref<2000xf32, #tpu.memory_space<vmem>>, vector<16xf32>,
        tpu.vector_store_idx %arg7[%get3A_219], %get3A_223 {add = true} : memref<10240xf32, #tpu.memory_space<vmem>>[vector<16xi32>], vector<16xf32>,
        %get3A_224 = arith.index_cast %mul3A_217 : i32 to index
        %get3A_225 = tpu.vector_load %arg19[%get3A_224] {strides = array<i32>} : memref<2000xf32, #tpu.memory_space<vmem>>, vector<16xf32>,
        tpu.vector_store_idx %arg8[%get3A_219], %get3A_225 {add = true} : memref<10240xf32, #tpu.memory_space<vmem>>[vector<16xi32>], vector<16xf32>,
        %get3A_226 = arith.index_cast %mul3A_217 : i32 to index
        %get3A_227 = tpu.vector_load %arg20[%get3A_226] {strides = array<i32>} : memref<2000xf32, #tpu.memory_space<vmem>>, vector<16xf32>,
        tpu.vector_store_idx %arg9[%get3A_219], %get3A_227 {add = true} : memref<10240xf32, #tpu.memory_space<vmem>>[vector<16xi32>], vector<16xf32>,
        %mul3A_228 = arith.constant 5 : i32
        %mul3A_229 = arith.muli %scan3A_164, %mul3A_228 : i32
        %add3A_230 = arith.constant 4 : i32
        %add3A_231 = arith.addi %mul3A_229, %add3A_230 : i32
        %mul3A_232 = arith.constant 16 : i32
        %mul3A_233 = arith.muli %add3A_231, %mul3A_232 : i32
        %get3A_234 = arith.index_cast %mul3A_233 : i32 to index
        %get3A_235 = tpu.vector_load %arg16[%get3A_234] {strides = array<i32>} : memref<2000xi32, #tpu.memory_space<vmem>>, vector<16xi32>,
        %get3A_236 = arith.index_cast %mul3A_233 : i32 to index
        %get3A_237 = tpu.vector_load %arg17[%get3A_236] {strides = array<i32>} : memref<2000xf32, #tpu.memory_space<vmem>>, vector<16xf32>,
        tpu.vector_store_idx %arg6[%get3A_235], %get3A_237 {add = true} : memref<10240xf32, #tpu.memory_space<vmem>>[vector<16xi32>], vector<16xf32>,
        %get3A_238 = arith.index_cast %mul3A_233 : i32 to index
        %get3A_239 = tpu.vector_load %arg18[%get3A_238] {strides = array<i32>} : memref<2000xf32, #tpu.memory_space<vmem>>, vector<16xf32>,
        tpu.vector_store_idx %arg7[%get3A_235], %get3A_239 {add = true} : memref<10240xf32, #tpu.memory_space<vmem>>[vector<16xi32>], vector<16xf32>,
        %get3A_240 = arith.index_cast %mul3A_233 : i32 to index
        %get3A_241 = tpu.vector_load %arg19[%get3A_240] {strides = array<i32>} : memref<2000xf32, #tpu.memory_space<vmem>>, vector<16xf32>,
        tpu.vector_store_idx %arg8[%get3A_235], %get3A_241 {add = true} : memref<10240xf32, #tpu.memory_space<vmem>>[vector<16xi32>], vector<16xf32>,
        %get3A_242 = arith.index_cast %mul3A_233 : i32 to index
        %get3A_243 = tpu.vector_load %arg20[%get3A_242] {strides = array<i32>} : memref<2000xf32, #tpu.memory_space<vmem>>, vector<16xf32>,
        tpu.vector_store_idx %arg9[%get3A_235], %get3A_243 {add = true} : memref<10240xf32, #tpu.memory_space<vmem>>[vector<16xi32>], vector<16xf32>,
      }
      %scan3A_163 = arith.constant 25 : i32
    }
    %scan3A_49 = arith.constant 80 : i32
    %scan3A_50 = arith.constant 0 : i32
    %scan3A_51 = arith.constant 0 : i32
    %scan3A_52 = arith.constant 5 : i32
    %scan3A_53 = arith.addi %scan3A_51, %scan3A_52 : i32
    %scan3A_54 = arith.constant 1 : i32
    scf.for %scan3A_74 = %scan3A_51 to %scan3A_53 step %scan3A_54  : i32 {
      %mul3A_75 = arith.constant 10000 : i32
      %mul3A_76 = arith.muli %add3A, %mul3A_75 : i32
      %mul3A_77 = arith.constant 2000 : i32
      %mul3A_78 = arith.muli %scan3A_74, %mul3A_77 : i32
      %add3A_79 = arith.addi %mul3A_76, %mul3A_78 : i32
      "tpu.region"() ({
        %run_scoped3A = tpu.sem_alloc : memref<!tpu.dma_semaphore, #tpu.memory_space<semaphore_mem>>
        %dma_start3A_88 = tpu.memref_slice %arg3[%add3A_79] : memref<320000xi32, #tpu.memory_space<hbm>> -> memref<2000xi32, #tpu.memory_space<hbm>>
        %dma_start3A_89 = tpu.memref_slice %arg3[%add3A_79] : memref<320000xi32, #tpu.memory_space<hbm>> -> memref<2000xi32, #tpu.memory_space<hbm>>
        tpu.enqueue_dma source(%dma_start3A_89 : memref<2000xi32, #tpu.memory_space<hbm>>) target(%arg11 : memref<2000xi32, #tpu.memory_space<vmem>>) target_semaphore(%run_scoped3A : memref<!tpu.dma_semaphore, #tpu.memory_space<semaphore_mem>>)
        %dma_wait3A = tpu.memref_slice %arg3[%add3A_79] : memref<320000xi32, #tpu.memory_space<hbm>> -> memref<2000xi32, #tpu.memory_space<hbm>>
        %dma_wait3A_90 = tpu.memref_slice %arg3[%add3A_79] : memref<320000xi32, #tpu.memory_space<hbm>> -> memref<2000xi32, #tpu.memory_space<hbm>>
        tpu.wait_dma2 semaphore(%run_scoped3A : memref<!tpu.dma_semaphore, #tpu.memory_space<semaphore_mem>>) src(%dma_wait3A_90 : memref<2000xi32, #tpu.memory_space<hbm>>) dst(%arg11 : memref<2000xi32, #tpu.memory_space<vmem>>)
        tpu.yield
      }) : () -> ()
      %add3A_80 = arith.constant 40960000 : i32
      %add3A_81 = arith.addi %add3A_80, %add3A_79 : i32
      "tpu.region"() ({
        %run_scoped3A = tpu.sem_alloc : memref<!tpu.dma_semaphore, #tpu.memory_space<semaphore_mem>>
        %dma_start3A_88 = tpu.memref_slice %arg2[%add3A_81] : memref<43520000xf32, #tpu.memory_space<hbm>> -> memref<2000xf32, #tpu.memory_space<hbm>>
        %dma_start3A_89 = tpu.memref_slice %arg2[%add3A_81] : memref<43520000xf32, #tpu.memory_space<hbm>> -> memref<2000xf32, #tpu.memory_space<hbm>>
        tpu.enqueue_dma source(%dma_start3A_89 : memref<2000xf32, #tpu.memory_space<hbm>>) target(%arg12 : memref<2000xf32, #tpu.memory_space<vmem>>) target_semaphore(%run_scoped3A : memref<!tpu.dma_semaphore, #tpu.memory_space<semaphore_mem>>)
        %dma_wait3A = tpu.memref_slice %arg2[%add3A_81] : memref<43520000xf32, #tpu.memory_space<hbm>> -> memref<2000xf32, #tpu.memory_space<hbm>>
        %dma_wait3A_90 = tpu.memref_slice %arg2[%add3A_81] : memref<43520000xf32, #tpu.memory_space<hbm>> -> memref<2000xf32, #tpu.memory_space<hbm>>
        tpu.wait_dma2 semaphore(%run_scoped3A : memref<!tpu.dma_semaphore, #tpu.memory_space<semaphore_mem>>) src(%dma_wait3A_90 : memref<2000xf32, #tpu.memory_space<hbm>>) dst(%arg12 : memref<2000xf32, #tpu.memory_space<vmem>>)
        tpu.yield
      }) : () -> ()
      %scan3A_82 = arith.constant 0 : i32
      %scan3A_83 = arith.constant 0 : i32
      %scan3A_84 = arith.constant 125 : i32
      %scan3A_85 = arith.addi %scan3A_83, %scan3A_84 : i32
      %scan3A_86 = arith.constant 1 : i32
      scf.for %scan3A_88 = %scan3A_83 to %scan3A_85 step %scan3A_86  : i32 {
        %mul3A_89 = arith.constant 16 : i32
        %mul3A_90 = arith.muli %scan3A_88, %mul3A_89 : i32
        %get3A = arith.index_cast %mul3A_90 : i32 to index
        %get3A_91 = tpu.vector_load %arg11[%get3A] {strides = array<i32>} : memref<2000xi32, #tpu.memory_space<vmem>>, vector<16xi32>,
        %get3A_92 = arith.index_cast %mul3A_90 : i32 to index
        %get3A_93 = tpu.vector_load %arg12[%get3A_92] {strides = array<i32>} : memref<2000xf32, #tpu.memory_space<vmem>>, vector<16xf32>,
        tpu.vector_store_idx %arg10[%get3A_91], %get3A_93 {add = true} : memref<10240xf32, #tpu.memory_space<vmem>>[vector<16xi32>], vector<16xf32>,
      }
      %scan3A_87 = arith.constant 125 : i32
    }
    %scan3A_55 = arith.constant 5 : i32
    %add3A_56 = arith.constant 0 : i32
    %add3A_57 = arith.addi %mul3A_2, %add3A_56 : i32
    %mul3A_58 = arith.constant 10240 : i32
    %mul3A_59 = arith.muli %add3A_57, %mul3A_58 : i32
    "tpu.region"() ({
      %run_scoped3A = tpu.sem_alloc : memref<!tpu.dma_semaphore, #tpu.memory_space<semaphore_mem>>
      %dma_start3A_74 = tpu.memref_slice %arg4[%mul3A_59] : memref<1310720xf32, #tpu.memory_space<hbm>> -> memref<10240xf32, #tpu.memory_space<hbm>>
      %dma_start3A_75 = tpu.memref_slice %arg4[%mul3A_59] : memref<1310720xf32, #tpu.memory_space<hbm>> -> memref<10240xf32, #tpu.memory_space<hbm>>
      tpu.enqueue_dma source(%arg6 : memref<10240xf32, #tpu.memory_space<vmem>>) target(%dma_start3A_75 : memref<10240xf32, #tpu.memory_space<hbm>>) target_semaphore(%run_scoped3A : memref<!tpu.dma_semaphore, #tpu.memory_space<semaphore_mem>>)
      %dma_wait3A = tpu.memref_slice %arg4[%mul3A_59] : memref<1310720xf32, #tpu.memory_space<hbm>> -> memref<10240xf32, #tpu.memory_space<hbm>>
      %dma_wait3A_76 = tpu.memref_slice %arg4[%mul3A_59] : memref<1310720xf32, #tpu.memory_space<hbm>> -> memref<10240xf32, #tpu.memory_space<hbm>>
      tpu.wait_dma2 semaphore(%run_scoped3A : memref<!tpu.dma_semaphore, #tpu.memory_space<semaphore_mem>>) src(%arg6 : memref<10240xf32, #tpu.memory_space<vmem>>) dst(%dma_wait3A_76 : memref<10240xf32, #tpu.memory_space<hbm>>)
      tpu.yield
    }) : () -> ()
    %add3A_60 = arith.constant 1 : i32
    %add3A_61 = arith.addi %mul3A_2, %add3A_60 : i32
    %mul3A_62 = arith.constant 10240 : i32
    %mul3A_63 = arith.muli %add3A_61, %mul3A_62 : i32
    "tpu.region"() ({
      %run_scoped3A = tpu.sem_alloc : memref<!tpu.dma_semaphore, #tpu.memory_space<semaphore_mem>>
      %dma_start3A_74 = tpu.memref_slice %arg4[%mul3A_63] : memref<1310720xf32, #tpu.memory_space<hbm>> -> memref<10240xf32, #tpu.memory_space<hbm>>
      %dma_start3A_75 = tpu.memref_slice %arg4[%mul3A_63] : memref<1310720xf32, #tpu.memory_space<hbm>> -> memref<10240xf32, #tpu.memory_space<hbm>>
      tpu.enqueue_dma source(%arg7 : memref<10240xf32, #tpu.memory_space<vmem>>) target(%dma_start3A_75 : memref<10240xf32, #tpu.memory_space<hbm>>) target_semaphore(%run_scoped3A : memref<!tpu.dma_semaphore, #tpu.memory_space<semaphore_mem>>)
      %dma_wait3A = tpu.memref_slice %arg4[%mul3A_63] : memref<1310720xf32, #tpu.memory_space<hbm>> -> memref<10240xf32, #tpu.memory_space<hbm>>
      %dma_wait3A_76 = tpu.memref_slice %arg4[%mul3A_63] : memref<1310720xf32, #tpu.memory_space<hbm>> -> memref<10240xf32, #tpu.memory_space<hbm>>
      tpu.wait_dma2 semaphore(%run_scoped3A : memref<!tpu.dma_semaphore, #tpu.memory_space<semaphore_mem>>) src(%arg7 : memref<10240xf32, #tpu.memory_space<vmem>>) dst(%dma_wait3A_76 : memref<10240xf32, #tpu.memory_space<hbm>>)
      tpu.yield
    }) : () -> ()
    %add3A_64 = arith.constant 2 : i32
    %add3A_65 = arith.addi %mul3A_2, %add3A_64 : i32
    %mul3A_66 = arith.constant 10240 : i32
    %mul3A_67 = arith.muli %add3A_65, %mul3A_66 : i32
    "tpu.region"() ({
      %run_scoped3A = tpu.sem_alloc : memref<!tpu.dma_semaphore, #tpu.memory_space<semaphore_mem>>
      %dma_start3A_74 = tpu.memref_slice %arg4[%mul3A_67] : memref<1310720xf32, #tpu.memory_space<hbm>> -> memref<10240xf32, #tpu.memory_space<hbm>>
      %dma_start3A_75 = tpu.memref_slice %arg4[%mul3A_67] : memref<1310720xf32, #tpu.memory_space<hbm>> -> memref<10240xf32, #tpu.memory_space<hbm>>
      tpu.enqueue_dma source(%arg8 : memref<10240xf32, #tpu.memory_space<vmem>>) target(%dma_start3A_75 : memref<10240xf32, #tpu.memory_space<hbm>>) target_semaphore(%run_scoped3A : memref<!tpu.dma_semaphore, #tpu.memory_space<semaphore_mem>>)
      %dma_wait3A = tpu.memref_slice %arg4[%mul3A_67] : memref<1310720xf32, #tpu.memory_space<hbm>> -> memref<10240xf32, #tpu.memory_space<hbm>>
      %dma_wait3A_76 = tpu.memref_slice %arg4[%mul3A_67] : memref<1310720xf32, #tpu.memory_space<hbm>> -> memref<10240xf32, #tpu.memory_space<hbm>>
      tpu.wait_dma2 semaphore(%run_scoped3A : memref<!tpu.dma_semaphore, #tpu.memory_space<semaphore_mem>>) src(%arg8 : memref<10240xf32, #tpu.memory_space<vmem>>) dst(%dma_wait3A_76 : memref<10240xf32, #tpu.memory_space<hbm>>)
      tpu.yield
    }) : () -> ()
    %add3A_68 = arith.constant 3 : i32
    %add3A_69 = arith.addi %mul3A_2, %add3A_68 : i32
    %mul3A_70 = arith.constant 10240 : i32
    %mul3A_71 = arith.muli %add3A_69, %mul3A_70 : i32
    "tpu.region"() ({
      %run_scoped3A = tpu.sem_alloc : memref<!tpu.dma_semaphore, #tpu.memory_space<semaphore_mem>>
      %dma_start3A_74 = tpu.memref_slice %arg4[%mul3A_71] : memref<1310720xf32, #tpu.memory_space<hbm>> -> memref<10240xf32, #tpu.memory_space<hbm>>
      %dma_start3A_75 = tpu.memref_slice %arg4[%mul3A_71] : memref<1310720xf32, #tpu.memory_space<hbm>> -> memref<10240xf32, #tpu.memory_space<hbm>>
      tpu.enqueue_dma source(%arg9 : memref<10240xf32, #tpu.memory_space<vmem>>) target(%dma_start3A_75 : memref<10240xf32, #tpu.memory_space<hbm>>) target_semaphore(%run_scoped3A : memref<!tpu.dma_semaphore, #tpu.memory_space<semaphore_mem>>)
      %dma_wait3A = tpu.memref_slice %arg4[%mul3A_71] : memref<1310720xf32, #tpu.memory_space<hbm>> -> memref<10240xf32, #tpu.memory_space<hbm>>
      %dma_wait3A_76 = tpu.memref_slice %arg4[%mul3A_71] : memref<1310720xf32, #tpu.memory_space<hbm>> -> memref<10240xf32, #tpu.memory_space<hbm>>
      tpu.wait_dma2 semaphore(%run_scoped3A : memref<!tpu.dma_semaphore, #tpu.memory_space<semaphore_mem>>) src(%arg9 : memref<10240xf32, #tpu.memory_space<vmem>>) dst(%dma_wait3A_76 : memref<10240xf32, #tpu.memory_space<hbm>>)
      tpu.yield
    }) : () -> ()
    %mul3A_72 = arith.constant 10240 : i32
    %mul3A_73 = arith.muli %add3A, %mul3A_72 : i32
    "tpu.region"() ({
      %run_scoped3A = tpu.sem_alloc : memref<!tpu.dma_semaphore, #tpu.memory_space<semaphore_mem>>
      %dma_start3A_74 = tpu.memref_slice %arg5[%mul3A_73] : memref<327680xf32, #tpu.memory_space<hbm>> -> memref<10240xf32, #tpu.memory_space<hbm>>
      %dma_start3A_75 = tpu.memref_slice %arg5[%mul3A_73] : memref<327680xf32, #tpu.memory_space<hbm>> -> memref<10240xf32, #tpu.memory_space<hbm>>
      tpu.enqueue_dma source(%arg10 : memref<10240xf32, #tpu.memory_space<vmem>>) target(%dma_start3A_75 : memref<10240xf32, #tpu.memory_space<hbm>>) target_semaphore(%run_scoped3A : memref<!tpu.dma_semaphore, #tpu.memory_space<semaphore_mem>>)
      %dma_wait3A = tpu.memref_slice %arg5[%mul3A_73] : memref<327680xf32, #tpu.memory_space<hbm>> -> memref<10240xf32, #tpu.memory_space<hbm>>
      %dma_wait3A_76 = tpu.memref_slice %arg5[%mul3A_73] : memref<327680xf32, #tpu.memory_space<hbm>> -> memref<10240xf32, #tpu.memory_space<hbm>>
      tpu.wait_dma2 semaphore(%run_scoped3A : memref<!tpu.dma_semaphore, #tpu.memory_space<semaphore_mem>>) src(%arg10 : memref<10240xf32, #tpu.memory_space<vmem>>) dst(%dma_wait3A_76 : memref<10240xf32, #tpu.memory_space<hbm>>)
      tpu.yield
    }) : () -> ()
    return
  }
}

module attributes {stable_mosaic.version = 14 : i64} {
  func.func @_node_body(%arg0: i32, %arg1: memref<1000x128xf32, #tpu.memory_space<vmem>>, %arg2: memref<1x512xi32, #tpu.memory_space<vmem>>, %arg3: memref<128x128xf32, #tpu.memory_space<vmem>>, %arg4: memref<1x128xf32, #tpu.memory_space<vmem>>, %arg5: memref<1x128xf32, #tpu.memory_space<vmem>>, %arg6: memref<1000x128xf32, #tpu.memory_space<vmem>>, %arg7: memref<1000x1xf32, #tpu.memory_space<vmem>>, %arg8: memref<1000x1xf32, #tpu.memory_space<vmem>>) attributes {dimension_semantics = [#tpu.dimension_semantics<arbitrary>], iteration_bounds = array<i64: 10>, scalar_prefetch = 0 : i64, scratch_operands = 0 : i64, tpu.core_type = #tpu.core_type<tc>, window_params = [{transform_indices = @transform_0, window_bounds = array<i64: 1000, 128>}, {pipeline_mode = #tpu.pipeline_mode<synchronous>, transform_indices = @transform_1, window_bounds = array<i64: 1, 512>}, {pipeline_mode = #tpu.pipeline_mode<synchronous>, transform_indices = @transform_2, window_bounds = array<i64: 128, 128>}, {pipeline_mode = #tpu.pipeline_mode<synchronous>, transform_indices = @transform_3, window_bounds = array<i64: 1, 128>}, {pipeline_mode = #tpu.pipeline_mode<synchronous>, transform_indices = @transform_4, window_bounds = array<i64: 1, 128>}, {transform_indices = @transform_5, window_bounds = array<i64: 1000, 128>}, {transform_indices = @transform_6, window_bounds = array<i64: 1000, 1>}, {transform_indices = @transform_7, window_bounds = array<i64: 1000, 1>}]} {
    %iota3A = tpu.iota {dimensions = array<i32: 0>} : vector<1000x512xi32>
    %mul3A = arith.constant 1000 : i32
    %mul3A_0 = arith.muli %arg0, %mul3A : i32
    %add3A = vector.broadcast %mul3A_0 : i32 to vector<1000x512xi32>
    %add3A_1 = arith.addi %iota3A, %add3A : vector<1000x512xi32>
    %get3A = arith.constant 0 : index
    %get3A_2 = arith.constant 0 : index
    %get3A_3 = vector.load %arg2[%get3A, %get3A_2] : memref<1x512xi32, #tpu.memory_space<vmem>>, vector<1x512xi32>
    %eq3A = vector.broadcast %get3A_3 : vector<1x512xi32> to vector<1000x512xi32>
    %eq3A_4 = arith.cmpi eq, %add3A_1, %eq3A : vector<1000x512xi32>
    %convert_element_type3A = arith.extui %eq3A_4 : vector<1000x512xi1> to vector<1000x512xi32>
    %convert_element_type3A_5 = arith.sitofp %convert_element_type3A : vector<1000x512xi32> to vector<1000x512xf32>
    %broadcast_in_dim3A = arith.constant 1.000000e+00 : f32
    %broadcast_in_dim3A_6 = vector.broadcast %broadcast_in_dim3A : f32 to vector<1x512xf32>
    %dot_general3A = arith.constant dense<0.000000e+00> : vector<1000x1xf32>
    %dot_general3A_7 = tpu.matmul %convert_element_type3A_5, %broadcast_in_dim3A_6, %dot_general3A {dimension_numbers = #tpu.dot_dimension_numbers<[1], [1], [0], [0], [0, 0, 1, 0], [], []>, transpose_lhs_hint = false} : vector<1000x512xf32>, vector<1x512xf32>, vector<1000x1xf32> -> vector<1000x1xf32>
    %gt3A = arith.constant 0.000000e+00 : f32
    %gt3A_8 = vector.broadcast %gt3A : f32 to vector<1000x1xf32>
    %gt3A_9 = arith.cmpf ogt, %dot_general3A_7, %gt3A_8 : vector<1000x1xf32>
    %convert_element_type3A_10 = arith.extui %gt3A_9 : vector<1000x1xi1> to vector<1000x1xi32>
    %convert_element_type3A_11 = arith.sitofp %convert_element_type3A_10 : vector<1000x1xi32> to vector<1000x1xf32>
    %get3A_12 = arith.constant 0 : index
    %get3A_13 = arith.constant 0 : index
    %get3A_14 = vector.load %arg1[%get3A_12, %get3A_13] : memref<1000x128xf32, #tpu.memory_space<vmem>>, vector<1000x128xf32>
    %get3A_15 = arith.constant 0 : index
    %get3A_16 = arith.constant 0 : index
    %get3A_17 = vector.load %arg3[%get3A_15, %get3A_16] : memref<128x128xf32, #tpu.memory_space<vmem>>, vector<128x128xf32>
    %dot_general3A_18 = arith.constant dense<0.000000e+00> : vector<1000x128xf32>
    %dot_general3A_19 = tpu.matmul %get3A_14, %get3A_17, %dot_general3A_18 {dimension_numbers = #tpu.dot_dimension_numbers<[1], [0], [0], [1], [0, 0, 1, 1], [], []>, transpose_lhs_hint = false} : vector<1000x128xf32>, vector<128x128xf32>, vector<1000x128xf32> -> vector<1000x128xf32>
    %get3A_20 = arith.constant 127 : index
    %get3A_21 = arith.constant 0 : index
    %get3A_22 = vector.load %arg3[%get3A_20, %get3A_21] : memref<128x128xf32, #tpu.memory_space<vmem>>, vector<1x128xf32>
    %mul3A_23 = vector.broadcast %convert_element_type3A_11 : vector<1000x1xf32> to vector<1000x128xf32>
    %mul3A_24 = vector.broadcast %get3A_22 : vector<1x128xf32> to vector<1000x128xf32>
    %mul3A_25 = arith.mulf %mul3A_23, %mul3A_24 : vector<1000x128xf32>
    %add3A_26 = arith.addf %dot_general3A_19, %mul3A_25 : vector<1000x128xf32>
    %get3A_27 = arith.constant 0 : index
    %get3A_28 = arith.constant 0 : index
    %get3A_29 = vector.load %arg4[%get3A_27, %get3A_28] : memref<1x128xf32, #tpu.memory_space<vmem>>, vector<1x128xf32>
    %add3A_30 = vector.broadcast %get3A_29 : vector<1x128xf32> to vector<1000x128xf32>
    %add3A_31 = arith.addf %add3A_26, %add3A_30 : vector<1000x128xf32>
    %swap3A = arith.constant 0 : index
    %swap3A_32 = arith.constant 0 : index
    %swap3A_33 = vector.load %arg6[%swap3A, %swap3A_32] : memref<1000x128xf32, #tpu.memory_space<vmem>>, vector<1000x128xf32>
    tpu.vector_store %arg6[%swap3A, %swap3A_32], %add3A_31 {strides = array<i32>} : memref<1000x128xf32, #tpu.memory_space<vmem>>, vector<1000x128xf32>,
    %get3A_34 = arith.constant 0 : index
    %get3A_35 = arith.constant 0 : index
    %get3A_36 = vector.load %arg5[%get3A_34, %get3A_35] : memref<1x128xf32, #tpu.memory_space<vmem>>, vector<1x128xf32>
    %dot_general3A_37 = arith.constant dense<0.000000e+00> : vector<1000x1xf32>
    %dot_general3A_38 = tpu.matmul %add3A_31, %get3A_36, %dot_general3A_37 {dimension_numbers = #tpu.dot_dimension_numbers<[1], [1], [0], [0], [0, 0, 1, 0], [], []>, transpose_lhs_hint = false} : vector<1000x128xf32>, vector<1x128xf32>, vector<1000x1xf32> -> vector<1000x1xf32>
    %swap3A_39 = arith.constant 0 : index
    %swap3A_40 = arith.constant 0 : index
    %swap3A_41 = vector.load %arg7[%swap3A_39, %swap3A_40] : memref<1000x1xf32, #tpu.memory_space<vmem>>, vector<1000x1xf32>
    tpu.vector_store %arg7[%swap3A_39, %swap3A_40], %dot_general3A_38 {strides = array<i32>} : memref<1000x1xf32, #tpu.memory_space<vmem>>, vector<1000x1xf32>,
    %swap3A_42 = arith.constant 0 : index
    %swap3A_43 = arith.constant 0 : index
    %swap3A_44 = vector.load %arg8[%swap3A_42, %swap3A_43] : memref<1000x1xf32, #tpu.memory_space<vmem>>, vector<1000x1xf32>
    tpu.vector_store %arg8[%swap3A_42, %swap3A_43], %dot_general3A_7 {strides = array<i32>} : memref<1000x1xf32, #tpu.memory_space<vmem>>, vector<1000x1xf32>,
    return
  }
  func.func @transform_0(%arg0: i32) -> (i32, i32) {
    %c0_i32 = arith.constant 0 : i32
    %c0_i32_0 = arith.constant 0 : i32
    return %arg0, %c0_i32 : i32, i32
  }
  func.func @transform_1(%arg0: i32) -> (i32, i32) {
    %c0_i32 = arith.constant 0 : i32
    %c0_i32_0 = arith.constant 0 : i32
    %c0_i32_1 = arith.constant 0 : i32
    return %c0_i32, %c0_i32_0 : i32, i32
  }
  func.func @transform_2(%arg0: i32) -> (i32, i32) {
    %c0_i32 = arith.constant 0 : i32
    %c0_i32_0 = arith.constant 0 : i32
    %c0_i32_1 = arith.constant 0 : i32
    return %c0_i32, %c0_i32_0 : i32, i32
  }
  func.func @transform_3(%arg0: i32) -> (i32, i32) {
    %c0_i32 = arith.constant 0 : i32
    %c0_i32_0 = arith.constant 0 : i32
    %c0_i32_1 = arith.constant 0 : i32
    return %c0_i32, %c0_i32_0 : i32, i32
  }
  func.func @transform_4(%arg0: i32) -> (i32, i32) {
    %c0_i32 = arith.constant 0 : i32
    %c0_i32_0 = arith.constant 0 : i32
    %c0_i32_1 = arith.constant 0 : i32
    return %c0_i32, %c0_i32_0 : i32, i32
  }
  func.func @transform_5(%arg0: i32) -> (i32, i32) {
    %c0_i32 = arith.constant 0 : i32
    %c0_i32_0 = arith.constant 0 : i32
    return %arg0, %c0_i32 : i32, i32
  }
  func.func @transform_6(%arg0: i32) -> (i32, i32) {
    %c0_i32 = arith.constant 0 : i32
    %c0_i32_0 = arith.constant 0 : i32
    return %arg0, %c0_i32 : i32, i32
  }
  func.func @transform_7(%arg0: i32) -> (i32, i32) {
    %c0_i32 = arith.constant 0 : i32
    %c0_i32_0 = arith.constant 0 : i32
    return %arg0, %c0_i32 : i32, i32
  }
}

module attributes {stable_mosaic.version = 14 : i64} {
  func.func @_edge_body(%arg0: i32, %arg1: memref<2560x128xf32, #tpu.memory_space<vmem>>, %arg2: memref<2560x4xf32, #tpu.memory_space<vmem>>, %arg3: memref<2560x1xf32, #tpu.memory_space<vmem>>, %arg4: memref<4x128xf32, #tpu.memory_space<vmem>>, %arg5: memref<1x128xf32, #tpu.memory_space<vmem>>, %arg6: memref<1x128xf32, #tpu.memory_space<vmem>>, %arg7: memref<128x64xf32, #tpu.memory_space<vmem>>, %arg8: memref<1x64xf32, #tpu.memory_space<vmem>>, %arg9: memref<64x32xf32, #tpu.memory_space<vmem>>, %arg10: memref<1x32xf32, #tpu.memory_space<vmem>>, %arg11: memref<32x4xf32, #tpu.memory_space<vmem>>, %arg12: memref<1x4xf32, #tpu.memory_space<vmem>>, %arg13: memref<2560x4xf32, #tpu.memory_space<vmem>>, %arg14: memref<136x2560xf32, #tpu.memory_space<vmem>>) attributes {dimension_semantics = [#tpu.dimension_semantics<arbitrary>], iteration_bounds = array<i64: 125>, scalar_prefetch = 0 : i64, scratch_operands = 0 : i64, tpu.core_type = #tpu.core_type<tc>, window_params = [{transform_indices = @transform_0, window_bounds = array<i64: 2560, 128>}, {transform_indices = @transform_1, window_bounds = array<i64: 2560, 4>}, {transform_indices = @transform_2, window_bounds = array<i64: 2560, 1>}, {pipeline_mode = #tpu.pipeline_mode<synchronous>, transform_indices = @transform_3, window_bounds = array<i64: 4, 128>}, {pipeline_mode = #tpu.pipeline_mode<synchronous>, transform_indices = @transform_4, window_bounds = array<i64: 1, 128>}, {pipeline_mode = #tpu.pipeline_mode<synchronous>, transform_indices = @transform_5, window_bounds = array<i64: 1, 128>}, {pipeline_mode = #tpu.pipeline_mode<synchronous>, transform_indices = @transform_6, window_bounds = array<i64: 128, 64>}, {pipeline_mode = #tpu.pipeline_mode<synchronous>, transform_indices = @transform_7, window_bounds = array<i64: 1, 64>}, {pipeline_mode = #tpu.pipeline_mode<synchronous>, transform_indices = @transform_8, window_bounds = array<i64: 64, 32>}, {pipeline_mode = #tpu.pipeline_mode<synchronous>, transform_indices = @transform_9, window_bounds = array<i64: 1, 32>}, {pipeline_mode = #tpu.pipeline_mode<synchronous>, transform_indices = @transform_10, window_bounds = array<i64: 32, 4>}, {pipeline_mode = #tpu.pipeline_mode<synchronous>, transform_indices = @transform_11, window_bounds = array<i64: 1, 4>}, {transform_indices = @transform_12, window_bounds = array<i64: 2560, 4>}, {transform_indices = @transform_13, window_bounds = array<i64: 136, 2560>}]} {
    %get3A = arith.constant 0 : index
    %get3A_0 = arith.constant 0 : index
    %get3A_1 = vector.load %arg2[%get3A, %get3A_0] : memref<2560x4xf32, #tpu.memory_space<vmem>>, vector<2560x4xf32>
    %get3A_2 = arith.constant 0 : index
    %get3A_3 = arith.constant 0 : index
    %get3A_4 = vector.load %arg4[%get3A_2, %get3A_3] : memref<4x128xf32, #tpu.memory_space<vmem>>, vector<4x128xf32>
    %dot_general3A = arith.constant dense<0.000000e+00> : vector<2560x128xf32>
    %dot_general3A_5 = tpu.matmul %get3A_1, %get3A_4, %dot_general3A {dimension_numbers = #tpu.dot_dimension_numbers<[1], [0], [0], [1], [0, 0, 1, 1], [], []>, transpose_lhs_hint = false} : vector<2560x4xf32>, vector<4x128xf32>, vector<2560x128xf32> -> vector<2560x128xf32>
    %get3A_6 = arith.constant 0 : index
    %get3A_7 = arith.constant 0 : index
    %get3A_8 = vector.load %arg5[%get3A_6, %get3A_7] : memref<1x128xf32, #tpu.memory_space<vmem>>, vector<1x128xf32>
    %add3A = vector.broadcast %get3A_8 : vector<1x128xf32> to vector<2560x128xf32>
    %add3A_9 = arith.addf %dot_general3A_5, %add3A : vector<2560x128xf32>
    %get3A_10 = arith.constant 0 : index
    %get3A_11 = arith.constant 0 : index
    %get3A_12 = vector.load %arg1[%get3A_10, %get3A_11] : memref<2560x128xf32, #tpu.memory_space<vmem>>, vector<2560x128xf32>
    %add3A_13 = arith.addf %get3A_12, %add3A_9 : vector<2560x128xf32>
    %max3A = arith.constant 0.000000e+00 : f32
    %max3A_14 = vector.broadcast %max3A : f32 to vector<2560x128xf32>
    %max3A_15 = arith.maximumf %add3A_13, %max3A_14 : vector<2560x128xf32>
    %get3A_16 = arith.constant 0 : index
    %get3A_17 = arith.constant 0 : index
    %get3A_18 = vector.load %arg3[%get3A_16, %get3A_17] : memref<2560x1xf32, #tpu.memory_space<vmem>>, vector<2560x1xf32>
    %get3A_19 = arith.constant 0 : index
    %get3A_20 = arith.constant 0 : index
    %get3A_21 = vector.load %arg6[%get3A_19, %get3A_20] : memref<1x128xf32, #tpu.memory_space<vmem>>, vector<1x128xf32>
    %dot_general3A_22 = arith.constant dense<0.000000e+00> : vector<2560x1xf32>
    %dot_general3A_23 = tpu.matmul %max3A_15, %get3A_21, %dot_general3A_22 {dimension_numbers = #tpu.dot_dimension_numbers<[1], [1], [0], [0], [0, 0, 1, 0], [], []>, transpose_lhs_hint = false} : vector<2560x128xf32>, vector<1x128xf32>, vector<2560x1xf32> -> vector<2560x1xf32>
    %add3A_24 = arith.addf %get3A_18, %dot_general3A_23 : vector<2560x1xf32>
    %ge3A = arith.constant 0.000000e+00 : f32
    %ge3A_25 = vector.broadcast %ge3A : f32 to vector<2560x1xf32>
    %ge3A_26 = arith.cmpf oge, %add3A_24, %ge3A_25 : vector<2560x1xf32>
    %mul3A = arith.constant 1.000000e-01 : f32
    %mul3A_27 = vector.broadcast %mul3A : f32 to vector<2560x1xf32>
    %mul3A_28 = arith.mulf %mul3A_27, %add3A_24 : vector<2560x1xf32>
    %select_n3A = arith.select %ge3A_26, %add3A_24, %mul3A_28 : vector<2560x1xi1>, vector<2560x1xf32>
    %exp3A = math.exp %select_n3A : vector<2560x1xf32>
    %mul3A_29 = vector.broadcast %exp3A : vector<2560x1xf32> to vector<2560x128xf32>
    %mul3A_30 = arith.mulf %mul3A_29, %max3A_15 : vector<2560x128xf32>
    %broadcast_in_dim3A = arith.constant 0.000000e+00 : f32
    %broadcast_in_dim3A_31 = vector.broadcast %broadcast_in_dim3A : f32 to vector<2560x7xf32>
    %concatenate3A = tpu.concatenate %mul3A_30, %exp3A, %broadcast_in_dim3A_31 in 1 : vector<2560x128xf32>, vector<2560x1xf32>, vector<2560x7xf32> -> vector<2560x136xf32>
    %iota3A = tpu.iota {dimensions = array<i32: 0>} : vector<136x136xi32>
    %iota3A_32 = tpu.iota {dimensions = array<i32: 1>} : vector<136x136xi32>
    %eq3A = arith.cmpi eq, %iota3A, %iota3A_32 : vector<136x136xi32>
    %convert_element_type3A = arith.extui %eq3A : vector<136x136xi1> to vector<136x136xi32>
    %convert_element_type3A_33 = arith.sitofp %convert_element_type3A : vector<136x136xi32> to vector<136x136xf32>
    %dot_general3A_34 = arith.constant dense<0.000000e+00> : vector<136x2560xf32>
    %dot_general3A_35 = tpu.matmul %convert_element_type3A_33, %concatenate3A, %dot_general3A_34 {dimension_numbers = #tpu.dot_dimension_numbers<[1], [1], [0], [0], [0, 0, 1, 0], [], []>, transpose_lhs_hint = false} : vector<136x136xf32>, vector<2560x136xf32>, vector<136x2560xf32> -> vector<136x2560xf32>
    %swap3A = arith.constant 0 : index
    %swap3A_36 = arith.constant 0 : index
    %swap3A_37 = vector.load %arg14[%swap3A, %swap3A_36] : memref<136x2560xf32, #tpu.memory_space<vmem>>, vector<136x2560xf32>
    tpu.vector_store %arg14[%swap3A, %swap3A_36], %dot_general3A_35 {strides = array<i32>} : memref<136x2560xf32, #tpu.memory_space<vmem>>, vector<136x2560xf32>,
    %get3A_38 = arith.constant 0 : index
    %get3A_39 = arith.constant 0 : index
    %get3A_40 = vector.load %arg7[%get3A_38, %get3A_39] : memref<128x64xf32, #tpu.memory_space<vmem>>, vector<128x64xf32>
    %dot_general3A_41 = arith.constant dense<0.000000e+00> : vector<2560x64xf32>
    %dot_general3A_42 = tpu.matmul %max3A_15, %get3A_40, %dot_general3A_41 {dimension_numbers = #tpu.dot_dimension_numbers<[1], [0], [0], [1], [0, 0, 1, 1], [], []>, transpose_lhs_hint = false} : vector<2560x128xf32>, vector<128x64xf32>, vector<2560x64xf32> -> vector<2560x64xf32>
    %get3A_43 = arith.constant 0 : index
    %get3A_44 = arith.constant 0 : index
    %get3A_45 = vector.load %arg8[%get3A_43, %get3A_44] : memref<1x64xf32, #tpu.memory_space<vmem>>, vector<1x64xf32>
    %add3A_46 = vector.broadcast %get3A_45 : vector<1x64xf32> to vector<2560x64xf32>
    %add3A_47 = arith.addf %dot_general3A_42, %add3A_46 : vector<2560x64xf32>
    %ge3A_48 = arith.constant 0.000000e+00 : f32
    %ge3A_49 = vector.broadcast %ge3A_48 : f32 to vector<2560x64xf32>
    %ge3A_50 = arith.cmpf oge, %add3A_47, %ge3A_49 : vector<2560x64xf32>
    %mul3A_51 = arith.constant 1.000000e-01 : f32
    %mul3A_52 = vector.broadcast %mul3A_51 : f32 to vector<2560x64xf32>
    %mul3A_53 = arith.mulf %mul3A_52, %add3A_47 : vector<2560x64xf32>
    %select_n3A_54 = arith.select %ge3A_50, %add3A_47, %mul3A_53 : vector<2560x64xi1>, vector<2560x64xf32>
    %get3A_55 = arith.constant 0 : index
    %get3A_56 = arith.constant 0 : index
    %get3A_57 = vector.load %arg9[%get3A_55, %get3A_56] : memref<64x32xf32, #tpu.memory_space<vmem>>, vector<64x32xf32>
    %dot_general3A_58 = arith.constant dense<0.000000e+00> : vector<2560x32xf32>
    %dot_general3A_59 = tpu.matmul %select_n3A_54, %get3A_57, %dot_general3A_58 {dimension_numbers = #tpu.dot_dimension_numbers<[1], [0], [0], [1], [0, 0, 1, 1], [], []>, transpose_lhs_hint = false} : vector<2560x64xf32>, vector<64x32xf32>, vector<2560x32xf32> -> vector<2560x32xf32>
    %get3A_60 = arith.constant 0 : index
    %get3A_61 = arith.constant 0 : index
    %get3A_62 = vector.load %arg10[%get3A_60, %get3A_61] : memref<1x32xf32, #tpu.memory_space<vmem>>, vector<1x32xf32>
    %add3A_63 = vector.broadcast %get3A_62 : vector<1x32xf32> to vector<2560x32xf32>
    %add3A_64 = arith.addf %dot_general3A_59, %add3A_63 : vector<2560x32xf32>
    %ge3A_65 = arith.constant 0.000000e+00 : f32
    %ge3A_66 = vector.broadcast %ge3A_65 : f32 to vector<2560x32xf32>
    %ge3A_67 = arith.cmpf oge, %add3A_64, %ge3A_66 : vector<2560x32xf32>
    %mul3A_68 = arith.constant 1.000000e-01 : f32
    %mul3A_69 = vector.broadcast %mul3A_68 : f32 to vector<2560x32xf32>
    %mul3A_70 = arith.mulf %mul3A_69, %add3A_64 : vector<2560x32xf32>
    %select_n3A_71 = arith.select %ge3A_67, %add3A_64, %mul3A_70 : vector<2560x32xi1>, vector<2560x32xf32>
    %get3A_72 = arith.constant 0 : index
    %get3A_73 = arith.constant 0 : index
    %get3A_74 = vector.load %arg11[%get3A_72, %get3A_73] : memref<32x4xf32, #tpu.memory_space<vmem>>, vector<32x4xf32>
    %dot_general3A_75 = arith.constant dense<0.000000e+00> : vector<2560x4xf32>
    %dot_general3A_76 = tpu.matmul %select_n3A_71, %get3A_74, %dot_general3A_75 {dimension_numbers = #tpu.dot_dimension_numbers<[1], [0], [0], [1], [0, 0, 1, 1], [], []>, transpose_lhs_hint = false} : vector<2560x32xf32>, vector<32x4xf32>, vector<2560x4xf32> -> vector<2560x4xf32>
    %get3A_77 = arith.constant 0 : index
    %get3A_78 = arith.constant 0 : index
    %get3A_79 = vector.load %arg12[%get3A_77, %get3A_78] : memref<1x4xf32, #tpu.memory_space<vmem>>, vector<1x4xf32>
    %add3A_80 = vector.broadcast %get3A_79 : vector<1x4xf32> to vector<2560x4xf32>
    %add3A_81 = arith.addf %dot_general3A_76, %add3A_80 : vector<2560x4xf32>
    %swap3A_82 = arith.constant 0 : index
    %swap3A_83 = arith.constant 0 : index
    %swap3A_84 = vector.load %arg13[%swap3A_82, %swap3A_83] : memref<2560x4xf32, #tpu.memory_space<vmem>>, vector<2560x4xf32>
    tpu.vector_store %arg13[%swap3A_82, %swap3A_83], %add3A_81 {strides = array<i32>} : memref<2560x4xf32, #tpu.memory_space<vmem>>, vector<2560x4xf32>,
    return
  }
  func.func @transform_0(%arg0: i32) -> (i32, i32) {
    %c0_i32 = arith.constant 0 : i32
    %c0_i32_0 = arith.constant 0 : i32
    return %arg0, %c0_i32 : i32, i32
  }
  func.func @transform_1(%arg0: i32) -> (i32, i32) {
    %c0_i32 = arith.constant 0 : i32
    %c0_i32_0 = arith.constant 0 : i32
    return %arg0, %c0_i32 : i32, i32
  }
  func.func @transform_2(%arg0: i32) -> (i32, i32) {
    %c0_i32 = arith.constant 0 : i32
    %c0_i32_0 = arith.constant 0 : i32
    return %arg0, %c0_i32 : i32, i32
  }
  func.func @transform_3(%arg0: i32) -> (i32, i32) {
    %c0_i32 = arith.constant 0 : i32
    %c0_i32_0 = arith.constant 0 : i32
    %c0_i32_1 = arith.constant 0 : i32
    return %c0_i32, %c0_i32_0 : i32, i32
  }
  func.func @transform_4(%arg0: i32) -> (i32, i32) {
    %c0_i32 = arith.constant 0 : i32
    %c0_i32_0 = arith.constant 0 : i32
    %c0_i32_1 = arith.constant 0 : i32
    return %c0_i32, %c0_i32_0 : i32, i32
  }
  func.func @transform_5(%arg0: i32) -> (i32, i32) {
    %c0_i32 = arith.constant 0 : i32
    %c0_i32_0 = arith.constant 0 : i32
    %c0_i32_1 = arith.constant 0 : i32
    return %c0_i32, %c0_i32_0 : i32, i32
  }
  func.func @transform_6(%arg0: i32) -> (i32, i32) {
    %c0_i32 = arith.constant 0 : i32
    %c0_i32_0 = arith.constant 0 : i32
    %c0_i32_1 = arith.constant 0 : i32
    return %c0_i32, %c0_i32_0 : i32, i32
  }
  func.func @transform_7(%arg0: i32) -> (i32, i32) {
    %c0_i32 = arith.constant 0 : i32
    %c0_i32_0 = arith.constant 0 : i32
    %c0_i32_1 = arith.constant 0 : i32
    return %c0_i32, %c0_i32_0 : i32, i32
  }
  func.func @transform_8(%arg0: i32) -> (i32, i32) {
    %c0_i32 = arith.constant 0 : i32
    %c0_i32_0 = arith.constant 0 : i32
    %c0_i32_1 = arith.constant 0 : i32
    return %c0_i32, %c0_i32_0 : i32, i32
  }
  func.func @transform_9(%arg0: i32) -> (i32, i32) {
    %c0_i32 = arith.constant 0 : i32
    %c0_i32_0 = arith.constant 0 : i32
    %c0_i32_1 = arith.constant 0 : i32
    return %c0_i32, %c0_i32_0 : i32, i32
  }
  func.func @transform_10(%arg0: i32) -> (i32, i32) {
    %c0_i32 = arith.constant 0 : i32
    %c0_i32_0 = arith.constant 0 : i32
    %c0_i32_1 = arith.constant 0 : i32
    return %c0_i32, %c0_i32_0 : i32, i32
  }
  func.func @transform_11(%arg0: i32) -> (i32, i32) {
    %c0_i32 = arith.constant 0 : i32
    %c0_i32_0 = arith.constant 0 : i32
    %c0_i32_1 = arith.constant 0 : i32
    return %c0_i32, %c0_i32_0 : i32, i32
  }
  func.func @transform_12(%arg0: i32) -> (i32, i32) {
    %c0_i32 = arith.constant 0 : i32
    %c0_i32_0 = arith.constant 0 : i32
    return %arg0, %c0_i32 : i32, i32
  }
  func.func @transform_13(%arg0: i32) -> (i32, i32) {
    %c0_i32 = arith.constant 0 : i32
    %c0_i32_0 = arith.constant 0 : i32
    return %c0_i32, %arg0 : i32, i32
  }
}

module attributes {stable_mosaic.version = 14 : i64} {
  func.func @_head_body(%arg0: i32, %arg1: memref<128x1024xf32, #tpu.memory_space<vmem>>, %arg2: memref<32x1024xf32, #tpu.memory_space<vmem>>, %arg3: memref<1024x1xf32, #tpu.memory_space<vmem>>, %arg4: memref<1024x1xi32, #tpu.memory_space<vmem>>, %arg5: memref<128x128xf32, #tpu.memory_space<vmem>>, %arg6: memref<1x128xf32, #tpu.memory_space<vmem>>, %arg7: memref<256x128xf32, #tpu.memory_space<vmem>>, %arg8: memref<1x128xf32, #tpu.memory_space<vmem>>, %arg9: memref<128x64xf32, #tpu.memory_space<vmem>>, %arg10: memref<1x64xf32, #tpu.memory_space<vmem>>, %arg11: memref<64x4xf32, #tpu.memory_space<vmem>>, %arg12: memref<1x4xf32, #tpu.memory_space<vmem>>, %arg13: memref<16x4xf32, #tpu.memory_space<vmem>>, %arg14: memref<16x128xf32, #tpu.memory_space<vmem>>, %arg15: memref<16x128xf32, #tpu.memory_space<vmem>>, %arg16: memref<16x128xf32, #tpu.memory_space<vmem>>, %arg17: memref<16x128xf32, #tpu.memory_space<vmem>>) attributes {dimension_semantics = [#tpu.dimension_semantics<arbitrary>], iteration_bounds = array<i64: 10>, scalar_prefetch = 0 : i64, scratch_operands = 4 : i64, tpu.core_type = #tpu.core_type<tc>, window_params = [{transform_indices = @transform_0, window_bounds = array<i64: 128, 1024>}, {transform_indices = @transform_1, window_bounds = array<i64: 32, 1024>}, {transform_indices = @transform_2, window_bounds = array<i64: 1024, 1>}, {transform_indices = @transform_3, window_bounds = array<i64: 1024, 1>}, {pipeline_mode = #tpu.pipeline_mode<synchronous>, transform_indices = @transform_4, window_bounds = array<i64: 128, 128>}, {pipeline_mode = #tpu.pipeline_mode<synchronous>, transform_indices = @transform_5, window_bounds = array<i64: 1, 128>}, {pipeline_mode = #tpu.pipeline_mode<synchronous>, transform_indices = @transform_6, window_bounds = array<i64: 256, 128>}, {pipeline_mode = #tpu.pipeline_mode<synchronous>, transform_indices = @transform_7, window_bounds = array<i64: 1, 128>}, {pipeline_mode = #tpu.pipeline_mode<synchronous>, transform_indices = @transform_8, window_bounds = array<i64: 128, 64>}, {pipeline_mode = #tpu.pipeline_mode<synchronous>, transform_indices = @transform_9, window_bounds = array<i64: 1, 64>}, {pipeline_mode = #tpu.pipeline_mode<synchronous>, transform_indices = @transform_10, window_bounds = array<i64: 64, 4>}, {pipeline_mode = #tpu.pipeline_mode<synchronous>, transform_indices = @transform_11, window_bounds = array<i64: 1, 4>}, {pipeline_mode = #tpu.pipeline_mode<synchronous>, transform_indices = @transform_12, window_bounds = array<i64: 16, 4>}]} {
    %eq3A = arith.constant 0 : i32
    %eq3A_0 = arith.cmpi eq, %arg0, %eq3A : i32
    %convert_element_type3A = arith.extui %eq3A_0 : i1 to i32
    %cond3A = arith.constant 0 : i32
    %cond3A_1 = arith.cmpi ne, %convert_element_type3A, %cond3A : i32
    scf.if %cond3A_1 {
      %broadcast_in_dim3A_77 = arith.constant 0.000000e+00 : f32
      %broadcast_in_dim3A_78 = vector.broadcast %broadcast_in_dim3A_77 : f32 to vector<16x128xf32>
      %swap3A_79 = arith.constant 0 : index
      %swap3A_80 = arith.constant 0 : index
      %swap3A_81 = vector.load %arg14[%swap3A_79, %swap3A_80] : memref<16x128xf32, #tpu.memory_space<vmem>>, vector<16x128xf32>
      tpu.vector_store %arg14[%swap3A_79, %swap3A_80], %broadcast_in_dim3A_78 {strides = array<i32>} : memref<16x128xf32, #tpu.memory_space<vmem>>, vector<16x128xf32>,
      %broadcast_in_dim3A_82 = arith.constant 0.000000e+00 : f32
      %broadcast_in_dim3A_83 = vector.broadcast %broadcast_in_dim3A_82 : f32 to vector<16x128xf32>
      %swap3A_84 = arith.constant 0 : index
      %swap3A_85 = arith.constant 0 : index
      %swap3A_86 = vector.load %arg15[%swap3A_84, %swap3A_85] : memref<16x128xf32, #tpu.memory_space<vmem>>, vector<16x128xf32>
      tpu.vector_store %arg15[%swap3A_84, %swap3A_85], %broadcast_in_dim3A_83 {strides = array<i32>} : memref<16x128xf32, #tpu.memory_space<vmem>>, vector<16x128xf32>,
      %broadcast_in_dim3A_87 = arith.constant 0.000000e+00 : f32
      %broadcast_in_dim3A_88 = vector.broadcast %broadcast_in_dim3A_87 : f32 to vector<16x128xf32>
      %swap3A_89 = arith.constant 0 : index
      %swap3A_90 = arith.constant 0 : index
      %swap3A_91 = vector.load %arg16[%swap3A_89, %swap3A_90] : memref<16x128xf32, #tpu.memory_space<vmem>>, vector<16x128xf32>
      tpu.vector_store %arg16[%swap3A_89, %swap3A_90], %broadcast_in_dim3A_88 {strides = array<i32>} : memref<16x128xf32, #tpu.memory_space<vmem>>, vector<16x128xf32>,
      %broadcast_in_dim3A_92 = arith.constant 0.000000e+00 : f32
      %broadcast_in_dim3A_93 = vector.broadcast %broadcast_in_dim3A_92 : f32 to vector<16x128xf32>
      %swap3A_94 = arith.constant 0 : index
      %swap3A_95 = arith.constant 0 : index
      %swap3A_96 = vector.load %arg17[%swap3A_94, %swap3A_95] : memref<16x128xf32, #tpu.memory_space<vmem>>, vector<16x128xf32>
      tpu.vector_store %arg17[%swap3A_94, %swap3A_95], %broadcast_in_dim3A_93 {strides = array<i32>} : memref<16x128xf32, #tpu.memory_space<vmem>>, vector<16x128xf32>,
    } else {
    }
    %get3A = arith.constant 0 : index
    %get3A_2 = arith.constant 0 : index
    %get3A_3 = vector.load %arg2[%get3A, %get3A_2] : memref<32x1024xf32, #tpu.memory_space<vmem>>, vector<32x1024xf32>
    %broadcast_in_dim3A = arith.constant 1.000000e+00 : f32
    %broadcast_in_dim3A_4 = vector.broadcast %broadcast_in_dim3A : f32 to vector<1x32xf32>
    %dot_general3A = arith.constant dense<0.000000e+00> : vector<1024x1xf32>
    %dot_general3A_5 = tpu.matmul %get3A_3, %broadcast_in_dim3A_4, %dot_general3A {dimension_numbers = #tpu.dot_dimension_numbers<[0], [1], [1], [0], [0, 1, 1, 0], [], []>, transpose_lhs_hint = false} : vector<32x1024xf32>, vector<1x32xf32>, vector<1024x1xf32> -> vector<1024x1xf32>
    %get3A_6 = arith.constant 0 : index
    %get3A_7 = arith.constant 0 : index
    %get3A_8 = vector.load %arg1[%get3A_6, %get3A_7] : memref<128x1024xf32, #tpu.memory_space<vmem>>, vector<128x1024xf32>
    %get3A_9 = arith.constant 0 : index
    %get3A_10 = arith.constant 0 : index
    %get3A_11 = vector.load %arg5[%get3A_9, %get3A_10] : memref<128x128xf32, #tpu.memory_space<vmem>>, vector<128x128xf32>
    %dot_general3A_12 = arith.constant dense<0.000000e+00> : vector<1024x128xf32>
    %dot_general3A_13 = tpu.matmul %get3A_8, %get3A_11, %dot_general3A_12 {dimension_numbers = #tpu.dot_dimension_numbers<[0], [0], [1], [1], [0, 1, 1, 1], [], []>, transpose_lhs_hint = false} : vector<128x1024xf32>, vector<128x128xf32>, vector<1024x128xf32> -> vector<1024x128xf32>
    %get3A_14 = arith.constant 0 : index
    %get3A_15 = arith.constant 0 : index
    %get3A_16 = vector.load %arg6[%get3A_14, %get3A_15] : memref<1x128xf32, #tpu.memory_space<vmem>>, vector<1x128xf32>
    %mul3A = vector.broadcast %dot_general3A_5 : vector<1024x1xf32> to vector<1024x128xf32>
    %mul3A_17 = vector.broadcast %get3A_16 : vector<1x128xf32> to vector<1024x128xf32>
    %mul3A_18 = arith.mulf %mul3A, %mul3A_17 : vector<1024x128xf32>
    %add3A = arith.addf %dot_general3A_13, %mul3A_18 : vector<1024x128xf32>
    %add3A_19 = arith.constant 1.000000e-16 : f32
    %add3A_20 = vector.broadcast %add3A_19 : f32 to vector<1024x1xf32>
    %add3A_21 = arith.addf %dot_general3A_5, %add3A_20 : vector<1024x1xf32>
    %div3A = vector.broadcast %add3A_21 : vector<1024x1xf32> to vector<1024x128xf32>
    %div3A_22 = arith.divf %add3A, %div3A : vector<1024x128xf32>
    %iota3A = tpu.iota {dimensions = array<i32: 1>} : vector<1024x16xi32>
    %get3A_23 = arith.constant 0 : index
    %get3A_24 = arith.constant 0 : index
    %get3A_25 = vector.load %arg4[%get3A_23, %get3A_24] : memref<1024x1xi32, #tpu.memory_space<vmem>>, vector<1024x1xi32>
    %eq3A_26 = vector.broadcast %get3A_25 : vector<1024x1xi32> to vector<1024x16xi32>
    %eq3A_27 = arith.cmpi eq, %eq3A_26, %iota3A : vector<1024x16xi32>
    %convert_element_type3A_28 = arith.extui %eq3A_27 : vector<1024x16xi1> to vector<1024x16xi32>
    %convert_element_type3A_29 = arith.sitofp %convert_element_type3A_28 : vector<1024x16xi32> to vector<1024x16xf32>
    %get3A_30 = arith.constant 0 : index
    %get3A_31 = arith.constant 0 : index
    %get3A_32 = vector.load %arg3[%get3A_30, %get3A_31] : memref<1024x1xf32, #tpu.memory_space<vmem>>, vector<1024x1xf32>
    %mul3A_33 = vector.broadcast %get3A_32 : vector<1024x1xf32> to vector<1024x16xf32>
    %mul3A_34 = arith.mulf %convert_element_type3A_29, %mul3A_33 : vector<1024x16xf32>
    %broadcast_in_dim3A_35 = arith.constant 1.000000e+00 : f32
    %broadcast_in_dim3A_36 = vector.broadcast %broadcast_in_dim3A_35 : f32 to vector<1024x128xf32>
    %get3A_37 = arith.constant 0 : index
    %get3A_38 = arith.constant 0 : index
    %get3A_39 = vector.load %arg15[%get3A_37, %get3A_38] : memref<16x128xf32, #tpu.memory_space<vmem>>, vector<16x128xf32>
    %dot_general3A_40 = arith.constant dense<0.000000e+00> : vector<16x128xf32>
    %dot_general3A_41 = tpu.matmul %convert_element_type3A_29, %div3A_22, %dot_general3A_40 {dimension_numbers = #tpu.dot_dimension_numbers<[0], [0], [1], [1], [0, 1, 1, 1], [], []>, transpose_lhs_hint = false} : vector<1024x16xf32>, vector<1024x128xf32>, vector<16x128xf32> -> vector<16x128xf32>
    %add3A_42 = arith.addf %get3A_39, %dot_general3A_41 : vector<16x128xf32>
    %swap3A = arith.constant 0 : index
    %swap3A_43 = arith.constant 0 : index
    %swap3A_44 = vector.load %arg15[%swap3A, %swap3A_43] : memref<16x128xf32, #tpu.memory_space<vmem>>, vector<16x128xf32>
    tpu.vector_store %arg15[%swap3A, %swap3A_43], %add3A_42 {strides = array<i32>} : memref<16x128xf32, #tpu.memory_space<vmem>>, vector<16x128xf32>,
    %get3A_45 = arith.constant 0 : index
    %get3A_46 = arith.constant 0 : index
    %get3A_47 = vector.load %arg14[%get3A_45, %get3A_46] : memref<16x128xf32, #tpu.memory_space<vmem>>, vector<16x128xf32>
    %dot_general3A_48 = arith.constant dense<0.000000e+00> : vector<16x128xf32>
    %dot_general3A_49 = tpu.matmul %mul3A_34, %div3A_22, %dot_general3A_48 {dimension_numbers = #tpu.dot_dimension_numbers<[0], [0], [1], [1], [0, 1, 1, 1], [], []>, transpose_lhs_hint = false} : vector<1024x16xf32>, vector<1024x128xf32>, vector<16x128xf32> -> vector<16x128xf32>
    %add3A_50 = arith.addf %get3A_47, %dot_general3A_49 : vector<16x128xf32>
    %swap3A_51 = arith.constant 0 : index
    %swap3A_52 = arith.constant 0 : index
    %swap3A_53 = vector.load %arg14[%swap3A_51, %swap3A_52] : memref<16x128xf32, #tpu.memory_space<vmem>>, vector<16x128xf32>
    tpu.vector_store %arg14[%swap3A_51, %swap3A_52], %add3A_50 {strides = array<i32>} : memref<16x128xf32, #tpu.memory_space<vmem>>, vector<16x128xf32>,
    %get3A_54 = arith.constant 0 : index
    %get3A_55 = arith.constant 0 : index
    %get3A_56 = vector.load %arg17[%get3A_54, %get3A_55] : memref<16x128xf32, #tpu.memory_space<vmem>>, vector<16x128xf32>
    %dot_general3A_57 = arith.constant dense<0.000000e+00> : vector<16x128xf32>
    %dot_general3A_58 = tpu.matmul %convert_element_type3A_29, %broadcast_in_dim3A_36, %dot_general3A_57 {dimension_numbers = #tpu.dot_dimension_numbers<[0], [0], [1], [1], [0, 1, 1, 1], [], []>, transpose_lhs_hint = false} : vector<1024x16xf32>, vector<1024x128xf32>, vector<16x128xf32> -> vector<16x128xf32>
    %add3A_59 = arith.addf %get3A_56, %dot_general3A_58 : vector<16x128xf32>
    %swap3A_60 = arith.constant 0 : index
    %swap3A_61 = arith.constant 0 : index
    %swap3A_62 = vector.load %arg17[%swap3A_60, %swap3A_61] : memref<16x128xf32, #tpu.memory_space<vmem>>, vector<16x128xf32>
    tpu.vector_store %arg17[%swap3A_60, %swap3A_61], %add3A_59 {strides = array<i32>} : memref<16x128xf32, #tpu.memory_space<vmem>>, vector<16x128xf32>,
    %get3A_63 = arith.constant 0 : index
    %get3A_64 = arith.constant 0 : index
    %get3A_65 = vector.load %arg16[%get3A_63, %get3A_64] : memref<16x128xf32, #tpu.memory_space<vmem>>, vector<16x128xf32>
    %dot_general3A_66 = arith.constant dense<0.000000e+00> : vector<16x128xf32>
    %dot_general3A_67 = tpu.matmul %mul3A_34, %broadcast_in_dim3A_36, %dot_general3A_66 {dimension_numbers = #tpu.dot_dimension_numbers<[0], [0], [1], [1], [0, 1, 1, 1], [], []>, transpose_lhs_hint = false} : vector<1024x16xf32>, vector<1024x128xf32>, vector<16x128xf32> -> vector<16x128xf32>
    %add3A_68 = arith.addf %get3A_65, %dot_general3A_67 : vector<16x128xf32>
    %swap3A_69 = arith.constant 0 : index
    %swap3A_70 = arith.constant 0 : index
    %swap3A_71 = vector.load %arg16[%swap3A_69, %swap3A_70] : memref<16x128xf32, #tpu.memory_space<vmem>>, vector<16x128xf32>
    tpu.vector_store %arg16[%swap3A_69, %swap3A_70], %add3A_68 {strides = array<i32>} : memref<16x128xf32, #tpu.memory_space<vmem>>, vector<16x128xf32>,
    %eq3A_72 = arith.constant 9 : i32
    %eq3A_73 = arith.cmpi eq, %arg0, %eq3A_72 : i32
    %convert_element_type3A_74 = arith.extui %eq3A_73 : i1 to i32
    %cond3A_75 = arith.constant 0 : i32
    %cond3A_76 = arith.cmpi ne, %convert_element_type3A_74, %cond3A_75 : i32
    scf.if %cond3A_76 {
      %get3A_77 = arith.constant 0 : index
      %get3A_78 = arith.constant 0 : index
      %get3A_79 = vector.load %arg14[%get3A_77, %get3A_78] : memref<16x128xf32, #tpu.memory_space<vmem>>, vector<16x128xf32>
      %get3A_80 = arith.constant 0 : index
      %get3A_81 = arith.constant 0 : index
      %get3A_82 = vector.load %arg16[%get3A_80, %get3A_81] : memref<16x128xf32, #tpu.memory_space<vmem>>, vector<16x128xf32>
      %max3A = arith.constant 1.000000e+00 : f32
      %max3A_83 = vector.broadcast %max3A : f32 to vector<16x128xf32>
      %max3A_84 = arith.maximumf %get3A_82, %max3A_83 : vector<16x128xf32>
      %div3A_85 = arith.divf %get3A_79, %max3A_84 : vector<16x128xf32>
      %get3A_86 = arith.constant 0 : index
      %get3A_87 = arith.constant 0 : index
      %get3A_88 = vector.load %arg15[%get3A_86, %get3A_87] : memref<16x128xf32, #tpu.memory_space<vmem>>, vector<16x128xf32>
      %get3A_89 = arith.constant 0 : index
      %get3A_90 = arith.constant 0 : index
      %get3A_91 = vector.load %arg17[%get3A_89, %get3A_90] : memref<16x128xf32, #tpu.memory_space<vmem>>, vector<16x128xf32>
      %max3A_92 = arith.constant 1.000000e+00 : f32
      %max3A_93 = vector.broadcast %max3A_92 : f32 to vector<16x128xf32>
      %max3A_94 = arith.maximumf %get3A_91, %max3A_93 : vector<16x128xf32>
      %div3A_95 = arith.divf %get3A_88, %max3A_94 : vector<16x128xf32>
      %get3A_96 = arith.constant 0 : index
      %get3A_97 = arith.constant 0 : index
      %get3A_98 = vector.load %arg7[%get3A_96, %get3A_97] : memref<256x128xf32, #tpu.memory_space<vmem>>, vector<256x128xf32>
      %slice3A = vector.extract_strided_slice %get3A_98 {offsets = [0, 0], sizes = [128, 128], strides = [1, 1]} : vector<256x128xf32> to vector<128x128xf32>
      %dot_general3A_99 = arith.constant dense<0.000000e+00> : vector<16x128xf32>
      %dot_general3A_100 = tpu.matmul %div3A_85, %slice3A, %dot_general3A_99 {dimension_numbers = #tpu.dot_dimension_numbers<[1], [0], [0], [1], [0, 0, 1, 1], [], []>, transpose_lhs_hint = false} : vector<16x128xf32>, vector<128x128xf32>, vector<16x128xf32> -> vector<16x128xf32>
      %get3A_101 = arith.constant 0 : index
      %get3A_102 = arith.constant 0 : index
      %get3A_103 = vector.load %arg7[%get3A_101, %get3A_102] : memref<256x128xf32, #tpu.memory_space<vmem>>, vector<256x128xf32>
      %slice3A_104 = vector.extract_strided_slice %get3A_103 {offsets = [128, 0], sizes = [128, 128], strides = [1, 1]} : vector<256x128xf32> to vector<128x128xf32>
      %dot_general3A_105 = arith.constant dense<0.000000e+00> : vector<16x128xf32>
      %dot_general3A_106 = tpu.matmul %div3A_95, %slice3A_104, %dot_general3A_105 {dimension_numbers = #tpu.dot_dimension_numbers<[1], [0], [0], [1], [0, 0, 1, 1], [], []>, transpose_lhs_hint = false} : vector<16x128xf32>, vector<128x128xf32>, vector<16x128xf32> -> vector<16x128xf32>
      %add3A_107 = arith.addf %dot_general3A_100, %dot_general3A_106 : vector<16x128xf32>
      %get3A_108 = arith.constant 0 : index
      %get3A_109 = arith.constant 0 : index
      %get3A_110 = vector.load %arg8[%get3A_108, %get3A_109] : memref<1x128xf32, #tpu.memory_space<vmem>>, vector<1x128xf32>
      %add3A_111 = vector.broadcast %get3A_110 : vector<1x128xf32> to vector<16x128xf32>
      %add3A_112 = arith.addf %add3A_107, %add3A_111 : vector<16x128xf32>
      %ge3A = arith.constant 0.000000e+00 : f32
      %ge3A_113 = vector.broadcast %ge3A : f32 to vector<16x128xf32>
      %ge3A_114 = arith.cmpf oge, %add3A_112, %ge3A_113 : vector<16x128xf32>
      %mul3A_115 = arith.constant 1.000000e-01 : f32
      %mul3A_116 = vector.broadcast %mul3A_115 : f32 to vector<16x128xf32>
      %mul3A_117 = arith.mulf %mul3A_116, %add3A_112 : vector<16x128xf32>
      %select_n3A = arith.select %ge3A_114, %add3A_112, %mul3A_117 : vector<16x128xi1>, vector<16x128xf32>
      %get3A_118 = arith.constant 0 : index
      %get3A_119 = arith.constant 0 : index
      %get3A_120 = vector.load %arg9[%get3A_118, %get3A_119] : memref<128x64xf32, #tpu.memory_space<vmem>>, vector<128x64xf32>
      %dot_general3A_121 = arith.constant dense<0.000000e+00> : vector<16x64xf32>
      %dot_general3A_122 = tpu.matmul %select_n3A, %get3A_120, %dot_general3A_121 {dimension_numbers = #tpu.dot_dimension_numbers<[1], [0], [0], [1], [0, 0, 1, 1], [], []>, transpose_lhs_hint = false} : vector<16x128xf32>, vector<128x64xf32>, vector<16x64xf32> -> vector<16x64xf32>
      %get3A_123 = arith.constant 0 : index
      %get3A_124 = arith.constant 0 : index
      %get3A_125 = vector.load %arg10[%get3A_123, %get3A_124] : memref<1x64xf32, #tpu.memory_space<vmem>>, vector<1x64xf32>
      %add3A_126 = vector.broadcast %get3A_125 : vector<1x64xf32> to vector<16x64xf32>
      %add3A_127 = arith.addf %dot_general3A_122, %add3A_126 : vector<16x64xf32>
      %ge3A_128 = arith.constant 0.000000e+00 : f32
      %ge3A_129 = vector.broadcast %ge3A_128 : f32 to vector<16x64xf32>
      %ge3A_130 = arith.cmpf oge, %add3A_127, %ge3A_129 : vector<16x64xf32>
      %mul3A_131 = arith.constant 1.000000e-01 : f32
      %mul3A_132 = vector.broadcast %mul3A_131 : f32 to vector<16x64xf32>
      %mul3A_133 = arith.mulf %mul3A_132, %add3A_127 : vector<16x64xf32>
      %select_n3A_134 = arith.select %ge3A_130, %add3A_127, %mul3A_133 : vector<16x64xi1>, vector<16x64xf32>
      %get3A_135 = arith.constant 0 : index
      %get3A_136 = arith.constant 0 : index
      %get3A_137 = vector.load %arg11[%get3A_135, %get3A_136] : memref<64x4xf32, #tpu.memory_space<vmem>>, vector<64x4xf32>
      %dot_general3A_138 = arith.constant dense<0.000000e+00> : vector<16x4xf32>
      %dot_general3A_139 = tpu.matmul %select_n3A_134, %get3A_137, %dot_general3A_138 {dimension_numbers = #tpu.dot_dimension_numbers<[1], [0], [0], [1], [0, 0, 1, 1], [], []>, transpose_lhs_hint = false} : vector<16x64xf32>, vector<64x4xf32>, vector<16x4xf32> -> vector<16x4xf32>
      %get3A_140 = arith.constant 0 : index
      %get3A_141 = arith.constant 0 : index
      %get3A_142 = vector.load %arg12[%get3A_140, %get3A_141] : memref<1x4xf32, #tpu.memory_space<vmem>>, vector<1x4xf32>
      %add3A_143 = vector.broadcast %get3A_142 : vector<1x4xf32> to vector<16x4xf32>
      %add3A_144 = arith.addf %dot_general3A_139, %add3A_143 : vector<16x4xf32>
      %swap3A_145 = arith.constant 0 : index
      %swap3A_146 = arith.constant 0 : index
      %swap3A_147 = vector.load %arg13[%swap3A_145, %swap3A_146] : memref<16x4xf32, #tpu.memory_space<vmem>>, vector<16x4xf32>
      tpu.vector_store %arg13[%swap3A_145, %swap3A_146], %add3A_144 {strides = array<i32>} : memref<16x4xf32, #tpu.memory_space<vmem>>, vector<16x4xf32>,
    } else {
    }
    return
  }
  func.func @transform_0(%arg0: i32) -> (i32, i32) {
    %c0_i32 = arith.constant 0 : i32
    %c0_i32_0 = arith.constant 0 : i32
    return %c0_i32, %arg0 : i32, i32
  }
  func.func @transform_1(%arg0: i32) -> (i32, i32) {
    %c0_i32 = arith.constant 0 : i32
    %c0_i32_0 = arith.constant 0 : i32
    return %c0_i32, %arg0 : i32, i32
  }
  func.func @transform_2(%arg0: i32) -> (i32, i32) {
    %c0_i32 = arith.constant 0 : i32
    %c0_i32_0 = arith.constant 0 : i32
    return %arg0, %c0_i32 : i32, i32
  }
  func.func @transform_3(%arg0: i32) -> (i32, i32) {
    %c0_i32 = arith.constant 0 : i32
    %c0_i32_0 = arith.constant 0 : i32
    return %arg0, %c0_i32 : i32, i32
  }
  func.func @transform_4(%arg0: i32) -> (i32, i32) {
    %c0_i32 = arith.constant 0 : i32
    %c0_i32_0 = arith.constant 0 : i32
    %c0_i32_1 = arith.constant 0 : i32
    return %c0_i32, %c0_i32_0 : i32, i32
  }
  func.func @transform_5(%arg0: i32) -> (i32, i32) {
    %c0_i32 = arith.constant 0 : i32
    %c0_i32_0 = arith.constant 0 : i32
    %c0_i32_1 = arith.constant 0 : i32
    return %c0_i32, %c0_i32_0 : i32, i32
  }
  func.func @transform_6(%arg0: i32) -> (i32, i32) {
    %c0_i32 = arith.constant 0 : i32
    %c0_i32_0 = arith.constant 0 : i32
    %c0_i32_1 = arith.constant 0 : i32
    return %c0_i32, %c0_i32_0 : i32, i32
  }
  func.func @transform_7(%arg0: i32) -> (i32, i32) {
    %c0_i32 = arith.constant 0 : i32
    %c0_i32_0 = arith.constant 0 : i32
    %c0_i32_1 = arith.constant 0 : i32
    return %c0_i32, %c0_i32_0 : i32, i32
  }
  func.func @transform_8(%arg0: i32) -> (i32, i32) {
    %c0_i32 = arith.constant 0 : i32
    %c0_i32_0 = arith.constant 0 : i32
    %c0_i32_1 = arith.constant 0 : i32
    return %c0_i32, %c0_i32_0 : i32, i32
  }
  func.func @transform_9(%arg0: i32) -> (i32, i32) {
    %c0_i32 = arith.constant 0 : i32
    %c0_i32_0 = arith.constant 0 : i32
    %c0_i32_1 = arith.constant 0 : i32
    return %c0_i32, %c0_i32_0 : i32, i32
  }
  func.func @transform_10(%arg0: i32) -> (i32, i32) {
    %c0_i32 = arith.constant 0 : i32
    %c0_i32_0 = arith.constant 0 : i32
    %c0_i32_1 = arith.constant 0 : i32
    return %c0_i32, %c0_i32_0 : i32, i32
  }
  func.func @transform_11(%arg0: i32) -> (i32, i32) {
    %c0_i32 = arith.constant 0 : i32
    %c0_i32_0 = arith.constant 0 : i32
    %c0_i32_1 = arith.constant 0 : i32
    return %c0_i32, %c0_i32_0 : i32, i32
  }
  func.func @transform_12(%arg0: i32) -> (i32, i32) {
    %c0_i32 = arith.constant 0 : i32
    %c0_i32_0 = arith.constant 0 : i32
    %c0_i32_1 = arith.constant 0 : i32
    return %c0_i32, %c0_i32_0 : i32, i32
  }
}

</mosaic_0001>

<sc_bundles>
// kernel: kernel.10.cloned.1.call-start
scs
__scs_entry_jumppad:
0x0: {  	(pc) =	sbr.rel $0x88, $3  }
0x1: {  	(tag) =	ssettag $0x0;
	lr =	simm.s32 $0x1  }
0x2: {  	[smem:$0x3F88] =	sst lr;
	_ =	strace $0xD0000000  }
0x3: {  	_ = 	snop  }
0x4: {  	_ = 	snop  }
0x5: {  	_ = 	snop  }
0x6: {  	_ = 	snop  }
0x7: {  	_ = 	snop  }
__scs_overlays_trampoline_lowered:
0x8: {  	[smem:$0x3F97] =	sst s0  }
0x9: {  	[smem:$0x3F98] =	sst s1  }
0xa: {  	[smem:$0x3F99] =	sst s2  }
0xb: {  	[smem:$0x3F9A] =	sst s3  }
0xc: {  	[smem:$0x3F9B] =	sst s4  }
0xd: {  	[smem:$0x3F9C] =	sst s5  }
0xe: {  	[smem:$0x3F9D] =	sst s6  }
0xf: {  	[smem:$0x3F9E] =	sst s7  }
0x10: {  	[smem:$0x3F9F] =	sst s8  }
0x11: {  	[smem:$0x3FA0] =	sst s9;
	s0 =	simm.s32 @!p0 $0x0  }
0x12: {  	s1 =	sld [smem:$0x3F86];
	s0 =	simm.s32 @p0 $0x1  }
0x13: {  	[smem:$0x3FA1] =	sst s0;
	s0 =	simm.s32 @!p1 $0x0  }
0x14: {  	s2 =	sld [smem:$0x3F85];
	s0 =	simm.s32 @p1 $0x1  }
0x15: {  	[smem:$0x3FA2] =	sst s0;
	s0 =	simm.s32 @!p2 $0x0  }
0x16: {  	s3 =	sld [smem:$0x3FDB];
	s0 =	simm.s32 @p2 $0x1  }
0x17: {  	s4 =	simm.s32 $0x1BF5;
	[smem:$0x3FA4] =	sst s0  }
0x18: {  	s0 =	sld [smem:$0x3F87];
	_ =	swait.ge [sflag:s4], $0x0  }
0x19: {  	s7 =	sld [smem:$0x3F88]  }
0x1a: {  	s8 =	sadd.s32 $0xFFFFE003, lr  }
0x1b: {  	s9 =	sadd.s32 $0xFFFFFEF7, lr;
	s5 =	simm.s32 $0xFFFFFFFF;
	p2 =	slt.u32 s8, $0xFFFFF086  }
0x1c: {  	p1 =	slt.u32 s9, $0xF7A;
	s5 =	simm.s32 @!p2 $0x0  }
0x1d: {  	s5 =	simm.s32 @p1 $0x1;
	p0 =	seq.s32 s7, s2  }
0x1e: {  	s7 =	smul.u32 @!p0 $0xF7A, s2;
	p2 =	seq.s32 @!p0 s5, $0x0  }
0x1f: {  	s9 =	smul.u32 $0xF7A, s1;
	s8 =	simm.s32 @!p0 $0x1BF5;
	p2 =	por !p2, p0  }
0x20: {  	[sflag:s8] =	ssyncset.s32 @!p0 $0xFFFFF086;
	s6 =	sadd.s32 @!p0 s3, s7;
	s7 =	simm.s32 @!p0 $0x108  }
0x21: {  	s3 =	sadd.s32 s3, s9;
	s6 =	sadd.s32 @!p0 $0x88, s6;
	s7 =	simm.s32 @p2 $0x1082  }
0x22: {  	[simem:s7], [sflag:s8] =	dma.local @!p0 [hbm:s6], $0xF7A  }
0x23: {  	s9 =	sor.u32 $0xD0000000, s2;
	s6 =	simm.s32 $0x108;
	_ =	swait.ge @!p0 [sflag:s8], $0x0  }
0x24: {  	s3 =	sadd.s32 $0x88, s3;
	s6 =	simm.s32 @!p1 $0x1082;
	[sflag:s4] =	ssyncset.s32 $0xFFFFF086  }
0x25: {  	[simem:s6], [sflag:s4] =	dma.local [hbm:s3], $0xF7A  }
0x26: {  	[smem:$0x3F88] =	sst s1;
	(tag) =	ssettag s2;
	_ =	strace s9  }
0x27: {  	s1 =	sld [smem:$0x3F98]  }
0x28: {  	s2 =	sld [smem:$0x3F99]  }
0x29: {  	s4 =	sld [smem:$0x3F9B]  }
0x2a: {  	p0 =	seq.s32 s5, $0x0;
	s5 =	sld [smem:$0x3F9C]  }
0x2b: {  	s6 =	sld [smem:$0x3F9D]  }
0x2c: {  	s7 =	sld [smem:$0x3F9E]  }
0x2d: {  	s3 =	simm.s32 $0x108;
	s8 =	sld [smem:$0x3F9F]  }
0x2e: {  	s3 =	simm.s32 @!p0 $0x1082;
	s9 =	sld [smem:$0x3FA0]  }
0x2f: {  	lr =	sadd.s32 s0, s3;
	s0 =	sld [smem:$0x3F97]  }
0x30: {  	s3 =	sld [smem:$0x3F9A]  }
0x31: {  	[smem:$0x3FA3] =	sst s10  }
0x32: {  	s10 =	sld [smem:$0x3FA1];
	_ =	sdelay $0x3  }
0x33: {  	p0 =	seq.s32 s10, $0x1;
	s10 =	sld [smem:$0x3FA3];
	_ =	sdelay $0x3  }
0x34: {  	[smem:$0x3FA3] =	sst s10  }
0x35: {  	s10 =	sld [smem:$0x3FA2];
	_ =	sdelay $0x3  }
0x36: {  	p1 =	seq.s32 s10, $0x1;
	s10 =	sld [smem:$0x3FA3];
	_ =	sdelay $0x3  }
0x37: {  	[smem:$0x3FA3] =	sst s10  }
0x38: {  	s10 =	sld [smem:$0x3FA4]  }
0x39: {  	_ = 	snop;
	(pc) =	sbr.ind lr, $3  }
0x3a: {  	_ = 	snop  }
0x3b: {  	_ = 	snop  }
0x3c: {  	p2 =	seq.s32 s10, $0x1;
	s10 =	sld [smem:$0x3FA3]  }
0x3d: {  	_ =	shalt  }
0x3e: {  	_ =	shalt  }
0x3f: {  	_ =	shalt  }
0x40: {  	_ =	shalt  }
0x41: {  	_ =	shalt  }
0x42: {  	_ =	shalt  }
0x43: {  	_ =	shalt  }
0x44: {  	_ =	shalt  }
0x45: {  	_ =	shalt  }
0x46: {  	_ =	shalt  }
0x47: {  	_ =	shalt  }
0x48: {  	_ =	shalt  }
0x49: {  	_ =	shalt  }
0x4a: {  	_ =	shalt  }
0x4b: {  	_ =	shalt  }
0x4c: {  	_ =	shalt  }
0x4d: {  	_ =	shalt  }
0x4e: {  	_ =	shalt  }
0x4f: {  	_ =	shalt  }
0x50: {  	_ =	shalt  }
0x51: {  	_ =	shalt  }
0x52: {  	_ =	shalt  }
0x53: {  	_ =	shalt  }
0x54: {  	_ =	shalt  }
0x55: {  	_ =	shalt  }
0x56: {  	_ =	shalt  }
0x57: {  	_ =	shalt  }
0x58: {  	_ =	shalt  }
0x59: {  	_ =	shalt  }
0x5a: {  	_ =	shalt  }
0x5b: {  	_ =	shalt  }
0x5c: {  	_ =	shalt  }
0x5d: {  	_ =	shalt  }
0x5e: {  	_ =	shalt  }
0x5f: {  	_ =	shalt  }
0x60: {  	_ =	shalt  }
0x61: {  	_ =	shalt  }
0x62: {  	_ =	shalt  }
0x63: {  	_ =	shalt  }
0x64: {  	_ =	shalt  }
0x65: {  	_ =	shalt  }
0x66: {  	_ =	shalt  }
0x67: {  	_ =	shalt  }
0x68: {  	_ =	shalt  }
0x69: {  	_ =	shalt  }
0x6a: {  	_ =	shalt  }
0x6b: {  	_ =	shalt  }
0x6c: {  	_ =	shalt  }
0x6d: {  	_ =	shalt  }
0x6e: {  	_ =	shalt  }
0x6f: {  	_ =	shalt  }
0x70: {  	_ =	shalt  }
0x71: {  	_ =	shalt  }
0x72: {  	_ =	shalt  }
0x73: {  	_ =	shalt  }
0x74: {  	_ =	shalt  }
0x75: {  	_ =	shalt  }
0x76: {  	_ =	shalt  }
0x77: {  	_ =	shalt  }
0x78: {  	_ =	shalt  }
0x79: {  	_ =	shalt  }
0x7a: {  	_ =	shalt  }
0x7b: {  	_ =	shalt  }
0x7c: {  	_ =	shalt  }
0x7d: {  	_ =	shalt  }
0x7e: {  	_ =	shalt  }
0x7f: {  	_ =	shalt  }
0x80: {  	_ =	shalt  }
0x81: {  	_ =	shalt  }
0x82: {  	_ =	shalt  }
0x83: {  	_ =	shalt  }
0x84: {  	_ =	shalt  }
0x85: {  	_ =	shalt  }
0x86: {  	_ =	shalt  }
0x87: {  	_ =	shalt  }
.Lfunc_end0:
.L_simem_size_0:
called_computation.1_lowered:
.L_overlay_start_0:
0x88: {  	s2 =	sld [smem:$0x3FD9]  }
0x89: {  	s3 =	sld [smem:$0x3FFE];
	_ =	sdelay $0x1  }
0x8a: {  	s1 =	srdreg.scid  }
0x8b: {  	s0 =	sand.u32 $0x1, s1  }
0x8c: {  	s16 =	sshll.u32 s0, $0xA;
	s2 =	sadd.s32 s3, s2  }
0x8d: {  	s2 =	sadd.s32 s2, s16  }
0x8e: {  	[smem:$0x3FAF] =	sst s2  }
0x8f: {  	_ = 	snop  }
0x90: {  	(tm) =	ssettm $0x1  }
0x91: {  	s17 =	sld [smem:$0x3FFB];
	_ =	sdelay $0x3  }
0x92: {  	_ =	strace s17  }
0x93: {  	s2 =	sld [smem:$0x3FFC];
	_ =	sdelay $0x3  }
0x94: {  	_ =	strace s2  }
0x95: {  	s2 =	sld [smem:$0x3FFD];
	_ =	sdelay $0x3  }
0x96: {  	_ =	strace s2  }
0x97: {  	_ =	strace $0x8FFFFFFF  }
0x98: {  	s18 =	sld [smem:$0x3FDB];
	_ =	sdelay $0x1  }
0x99: {  	s19 =	simm.s32 $_scs_section_size  }
0x9a: {  	s4 =	simm.s32 $_size__tile_overlayer_lowered;
	s5 =	simm.s32 $_tile_overlayer_lowered  }
0x9b: {  	s22 =	simm.s32 $0x1BFF;
	s21 =	sshll.u32 s5, $0x1;
	s2 =	sadd.s32 s19, s18  }
0x9c: {  	s6 =	simm.s32 $0x0;
	s20 =	sshll.u32 s4, $0x1;
	s4 =	sadd.s32 s21, s2  }
0x9d: {  	[timem:s6], [sflag:s22] =	dma.local [hbm:s4], s20  }
0x9e: {  	_ =	swait.ge [sflag:s22], s20  }
0x9f: {  	s3 =	ssub.s32 $0x0, s20;
	[sflag:s22] =	ssyncset.done $0x0  }
0xa0: {  	[sflag:s22] =	ssyncadd.s32 s3;
	_ =	sdelay $0x1  }
0xa1: {  	s23 =	simm.s32 $0x1B8B  }
0xa2: {  	_ =	swait.ge [sflag:s23], $0x1  }
0xa3: {  	[sflag:s23] =	ssyncset.done $0x0  }
0xa4: {  	s25 =	simm.s32 $0x1B8E;
	s24 =	sld [smem:$0x3FFE];
	[sflag:s23] =	ssyncadd.s32 $0xFFFFFFFF  }
0xa5: {  	s26 =	simm.s32 $execute0_lowered;
	[smem:$0x3FD2] =	sst s25  }
0xa6: {  	s4 =	sshll.u32 s26, $0x1;
	_ =	strace $0x80000049;
	[dreg:$0x1] =	wrdreg $0xFFFFFFFF  }
0xa7: {  	s28 =	simm.s32 $_size_execute0_lowered;
	s2 =	sadd.s32 s2, s4;
	[dreg:$0x0] =	wrdreg $0x0  }
0xa8: {  	s4 =	sshll.u32 s28, $0x1;
	[dreg:$0x2] =	wrdreg s2  }
0xa9: {  	[dreg:$0x3] =	wrdreg s4  }
0xaa: {  	[dreg:$0x4] =	wrdreg $0xC0  }
0xab: {  	_ =	task [dreg:s6], $0x5FFFF  }
0xac: {  	[dreg:$0x1] =	wrdreg $0xFFFFFFFF  }
0xad: {  	[dreg:$0x0] =	wrdreg $0x60  }
0xae: {  	[dreg:$0x2] =	wrdreg s24  }
0xaf: {  	[dreg:$0x3] =	wrdreg $0x9  }
0xb0: {  	_ =	task.clear_ibuf [dreg:s6], $0x4FFFF;
	_ =	strace $0x90000049  }
0xb1: {  	s29 =	simm.s32 $0x9;
	_ =	strace $0x8000004B  }
0xb2: {  	_ =	swait.ge [sflag:s29], $0x1  }
0xb3: {  	[sflag:s29] =	ssyncadd.s32 $0xFFFFFFFF  }
0xb4: {  	_ =	strace $0x9000004B  }
0xb5: {  	_ =	sfence  }
0xb6: {  	s30 =	sld [smem:$0x0];
	_ =	sdelay $0x2  }
0xb7: {  	s31 =	sshll.u32 s1, $0xD;
	s1 =	sshrl.u32 s1, $0x2  }
0xb8: {  	s3 =	sand.u32 $0x4000, s31;
	s1 =	sadd.s32 s1, s30  }
0xb9: {  	s0 =	sor.u32 s3, s0;
	s1 =	sshll.u32 s1, $0x11  }
0xba: {  	s0 =	sor.u32 s1, s0  }
0xbb: {  	s0 =	sadd.s32 $0x8F2B, s0  }
0xbc: {  	[sflag:s0] =	ssyncadd.remote.s32 $0x1  }
0xbd: {  	_ =	sfence.sel $0xFFFF  }
0xbe: {  	[dreg:$0x0] =	wrdreg $0xFFFFFFFF;
	(pc) =	sbr.abs _section_cstart, $3  }
0xbf: {  	[dreg:$0x1] =	wrdreg $0xFFFFFFFF  }
0xc0: {  	_ =	task.clear_ibuf [dreg:s6], $0x2FFFF;
	_ =	strace $0x9FFFFFFF  }
0xc1: {  	(tm) =	ssettm $0x7FFFFFFF  }
tec
execute0_lowered:
.L_overlay_start_1:
0x0: {  	(tag) =	ssettag $0x1  }
0x1: {  	s1 =	srdreg.scid;
	s3 =	stileid.u32  }
0x2: {  	s1 =	sand.u32 $0x1, s1;
	s3 =	sshll.u32 s3, $0x1  }
0x3: {  	s0 =	rddreg [dreg:$0x0];
	s2 =	simm.s32 $0x0;
	s10 =	sor.u32 s1, s3  }
0x4: {  	s28 =	simm.s32 $0x10000;
	s29 =	simm.s32 $0x10800;
	s9 =	smul.u32 $0x500, s10  }
0x5: {  	s30 =	simm.s32 $0x11000;
	s4 =	smul.u32 $0x138800, s10;
	s13 =	sshllo.u32 s10, $0x2  }
0x6: {  	s31 =	simm.s32 $0x1;
	s7 =	sshll.u32 s10, $0x2;
	s8 =	smul.u32 $0x4E200, s13  }
0x7: {  	[smem:$0x7FF] =	sst s2;
	s11 =	sor.u32 $0x1, s7;
	s13 =	smul.u32 $0x500, s13  }
0x8: {  	s5 =	sadd.s32 $0xE800, s0;
	s12 =	sor.u32 $0x2, s7;
	s6 =	smul.u32 $0x4E200, s11  }
0x9: {  	s14 =	sadd.s32 $0x56FA00, s0;
	s3 =	sadd.s32 $0x3F800, s0;
	s7 =	smul.u32 $0x4E200, s12  }
0xa: {  	s1 =	ssub.s32 $0x2, s1;
	s0 =	sadd.s32 s9, s0;
	s9 =	smul.u32 $0x2710, s10  }
0xb: {  	_ =	strace $0x8000004A;
	s15 =	sshrl.u32 s1, $0x1;
	s10 =	smul.u32 $0x1400, s10  }
0xc: {  	s1 =	ssub.s32 s1, s15;
	s19 =	sshrl.u32 s4, $0x3;
	s11 =	smul.u32 $0x500, s11  }
0xd: {  	s12 =	smul.u32 $0x500, s12;
	s15 =	sadd.s32 s3, s19;
	s22 =	sshrl.u32 s8, $0x3  }
0xe: {  	s26 =	sadd.s32 s14, s13;
	s18 =	sadd.s32 $0x597A00, s0;
	s19 =	smax.u32 s1, $0x1  }
0xf: {  	s0 =	simm.s32 $0x2800;
	s1 =	simm.s32 $0x5000;
	s16 =	sshrl.u32 s6, $0x3  }
0x10: {  	[dreg:$0x2] =	wrdreg s15;
	s21 =	sshrl.u32 s7, $0x3;
	s23 =	sadd.s32 s3, s22  }
0x11: {  	s10 =	sadd.s32 s14, s10;
	s24 =	sadd.s32 s14, s11;
	[dreg:$0x9] =	wrdreg s26  }
0x12: {  	s25 =	sadd.s32 s14, s12;
	s26 =	simm.s32 $0xF800;
	[dreg:$0x5] =	wrdreg s23  }
0x13: {  	s22 =	simm.s32 $0x7800;
	s11 =	simm.s32 $0x0;
	[dreg:$0x6] =	wrdreg s10  }
0x14: {  	s20 =	sadd.s32 s3, s16;
	s15 =	sadd.s32 s3, s21;
	[dreg:$0x7] =	wrdreg s24  }
0x15: {  	[dreg:$0x8] =	wrdreg s25;
	s21 =	simm.s32 $0xD000;
	s25 =	simm.s32 $0xF000  }
0x16: {  	s23 =	simm.s32 $0x2;
	s24 =	simm.s32 $0x3;
	[dreg:$0x3] =	wrdreg s20  }
0x17: {  	v0 =	vimm.f32 $0.0e+00;
	s10 =	simm.s32 $0xA000;
	[dreg:$0x4] =	wrdreg s15;
	s20 =	simm.s32 $0xC800  }
.LBB2_1:
0x18: {  	s13 =	simm.s32 $0x40;
	s12 =	simm.s32 $0x0  }
.LBB2_2:
0x19: {  	p0 =	sne.s32 s13, $0x9FC0;
	[tilespmem:s12+$0xA000] =	vst v0;
	s14 =	smov.u32 s13;
	s13 =	sadd.s32 $0x40, s13  }
.Ltmp0:
0x1a: {  	[tilespmem:s12+$0x7800] =	vst v0;
	(pc) =	sbr.rel @p0 .LBB2_2-.Ltmp0, $4  }
0x1b: {  	[tilespmem:s12+$0x5000] =	vst v0  }
0x1c: {  	[tilespmem:s12+$0x0] =	vst v0  }
0x1d: {  	[tilespmem:s12+$0x2800] =	vst v0  }
0x1e: {  	s12 =	sshra.s32 s14, $0x2  }
0x1f: {  	[tilespmem:s12+$0xA000] =	vst v0  }
0x20: {  	[tilespmem:s12+$0x7800] =	vst v0  }
0x21: {  	[tilespmem:s12+$0x5000] =	vst v0  }
0x22: {  	[tilespmem:s12+$0x0] =	vst v0  }
0x23: {  	[tilespmem:s12+$0x2800] =	vst v0;
	s12 =	simm.s32 $0x0  }
0x24: {  	[tilespmem:s20], [sflag:$0x1] =	stream.linear.gather [hbm4b:s5+s12], $0x7D0, $0x38;
	[tilespmem:$0x11800] =	vst v63  }
0x25: {  	s13 =	rddreg [dreg:$0x2]  }
0x26: {  	[tilespmem:s21], [sflag:$0x1] =	stream.linear.gather [hbm4b:s13+s12], $0x7D0, $0x38;
	[tilespmem:$0x11800] =	vst v63  }
0x27: {  	s17 =	rddreg [dreg:$0x3];
	s14 =	simm.s32 $0xD800  }
0x28: {  	[tilespmem:s14], [sflag:$0x1] =	stream.linear.gather [hbm4b:s17+s12], $0x7D0, $0x38;
	[tilespmem:$0x11800] =	vst v63  }
0x29: {  	s15 =	simm.s32 $0xE000;
	s14 =	rddreg [dreg:$0x4]  }
0x2a: {  	[tilespmem:s15], [sflag:$0x1] =	stream.linear.gather [hbm4b:s14+s12], $0x7D0, $0x38;
	[tilespmem:$0x11800] =	vst v63  }
0x2b: {  	s16 =	rddreg [dreg:$0x5];
	s13 =	simm.s32 $0x0;
	s17 =	simm.s32 $0xE800  }
0x2c: {  	[tilespmem:s17], [sflag:$0x1] =	stream.linear.gather [hbm4b:s16+s12], $0x7D0, $0x38;
	[tilespmem:$0x11800] =	vst v63  }
.LBB2_4:
0x2d: {  	s14 =	smul.u32 $0xFA0, s13;
	_ =	sdelay $0x1  }
0x2e: {  	s15 =	sadd.s32 $0x7D0, s14  }
0x2f: {  	s16 =	sshrl.u32 s15, $0x3  }
0x30: {  	s17 =	sadd.s32 s4, s15;
	s16 =	sadd.s32 s5, s16  }
0x31: {  	[tilespmem:s25], [sflag:$0x2] =	stream.linear.gather [hbm4b:s16+s12], $0x7D0, $0x38;
	[tilespmem:$0x11800] =	vst v63  }
0x32: {  	s16 =	sshrl.u32 s17, $0x3  }
0x33: {  	s17 =	sadd.s32 s6, s15;
	s16 =	sadd.s32 s3, s16  }
0x34: {  	[tilespmem:s26], [sflag:$0x2] =	stream.linear.gather [hbm4b:s16+s12], $0x7D0, $0x38;
	[tilespmem:$0x11800] =	vst v63  }
0x35: {  	s16 =	sshrl.u32 s17, $0x3  }
0x36: {  	s17 =	sadd.s32 s7, s15;
	s16 =	sadd.s32 s3, s16  }
0x37: {  	[tilespmem:s28], [sflag:$0x2] =	stream.linear.gather [hbm4b:s16+s12], $0x7D0, $0x38;
	[tilespmem:$0x11800] =	vst v63  }
0x38: {  	s15 =	sadd.s32 s8, s15;
	s16 =	sshrl.u32 s17, $0x3  }
0x39: {  	s15 =	sshrl.u32 s15, $0x3;
	s16 =	sadd.s32 s3, s16  }
0x3a: {  	[tilespmem:s29], [sflag:$0x2] =	stream.linear.gather [hbm4b:s16+s12], $0x7D0, $0x38;
	[tilespmem:$0x11800] =	vst v63  }
0x3b: {  	s15 =	sadd.s32 s3, s15  }
0x3c: {  	[tilespmem:s30], [sflag:$0x2] =	stream.linear.gather [hbm4b:s15+s12], $0x7D0, $0x38;
	[tilespmem:$0x11800] =	vst v63  }
0x3d: {  	_ =	swait.ge [sflag:s31], $0x7D0  }
0x3e: {  	[sflag:s31] =	ssyncset.done $0x0  }
0x3f: {  	[sflag:s31] =	ssyncadd.s32 $0xFFFFF830  }
0x40: {  	_ =	swait.ge [sflag:s31], $0x7D0  }
0x41: {  	[sflag:s31] =	ssyncset.done $0x0  }
0x42: {  	[sflag:s31] =	ssyncadd.s32 $0xFFFFF830  }
0x43: {  	_ =	swait.ge [sflag:s31], $0x7D0  }
0x44: {  	[sflag:s31] =	ssyncset.done $0x0  }
0x45: {  	[sflag:s31] =	ssyncadd.s32 $0xFFFFF830  }
0x46: {  	_ =	swait.ge [sflag:s31], $0x7D0  }
0x47: {  	[sflag:s31] =	ssyncset.done $0x0  }
0x48: {  	[sflag:s31] =	ssyncadd.s32 $0xFFFFF830  }
0x49: {  	_ =	swait.ge [sflag:s31], $0x7D0  }
0x4a: {  	[sflag:s31] =	ssyncset.done $0x0  }
0x4b: {  	s15 =	simm.s32 $0x0;
	[sflag:s31] =	ssyncadd.s32 $0xFFFFF830  }
.LBB2_5:
0x4c: {  	s16 =	sshra.s32 s15, $0x2  }
0x4d: {  	v1 =	vld [tilespmem:s16+$0xC800];
	_ =	sdelay $0x2  }
0x4e: {  	v2 =	vld [tilespmem:s16+$0xD000];
	_ =	sdelay $0x4  }
0x4f: {  	[tilespmem:v1+s2+$0x0] =	vst.idx.add.f32.msk $0xffff, v2  }
0x50: {  	v2 =	vld [tilespmem:s16+$0xD800];
	_ =	sdelay $0x4  }
0x51: {  	[tilespmem:v1+s0+$0x0] =	vst.idx.add.f32.msk $0xffff, v2  }
0x52: {  	v2 =	vld [tilespmem:s16+$0xE000];
	_ =	sdelay $0x4  }
0x53: {  	[tilespmem:v1+s1+$0x0] =	vst.idx.add.f32.msk $0xffff, v2  }
0x54: {  	v2 =	vld [tilespmem:s16+$0xE800];
	_ =	sdelay $0x4  }
0x55: {  	[tilespmem:v1+s22+$0x0] =	vst.idx.add.f32.msk $0xffff, v2  }
0x56: {  	v1 =	vld [tilespmem:s16+$0xC810];
	_ =	sdelay $0x2  }
0x57: {  	v2 =	vld [tilespmem:s16+$0xD010];
	_ =	sdelay $0x4  }
0x58: {  	[tilespmem:v1+s2+$0x0] =	vst.idx.add.f32.msk $0xffff, v2  }
0x59: {  	v2 =	vld [tilespmem:s16+$0xD810];
	_ =	sdelay $0x4  }
0x5a: {  	[tilespmem:v1+s0+$0x0] =	vst.idx.add.f32.msk $0xffff, v2  }
0x5b: {  	v2 =	vld [tilespmem:s16+$0xE010];
	_ =	sdelay $0x4  }
0x5c: {  	[tilespmem:v1+s1+$0x0] =	vst.idx.add.f32.msk $0xffff, v2  }
0x5d: {  	v2 =	vld [tilespmem:s16+$0xE810];
	_ =	sdelay $0x4  }
0x5e: {  	[tilespmem:v1+s22+$0x0] =	vst.idx.add.f32.msk $0xffff, v2  }
0x5f: {  	v1 =	vld [tilespmem:s16+$0xC820];
	_ =	sdelay $0x2  }
0x60: {  	v2 =	vld [tilespmem:s16+$0xD020];
	_ =	sdelay $0x4  }
0x61: {  	[tilespmem:v1+s2+$0x0] =	vst.idx.add.f32.msk $0xffff, v2  }
0x62: {  	v2 =	vld [tilespmem:s16+$0xD820];
	_ =	sdelay $0x4  }
0x63: {  	[tilespmem:v1+s0+$0x0] =	vst.idx.add.f32.msk $0xffff, v2  }
0x64: {  	v2 =	vld [tilespmem:s16+$0xE020];
	_ =	sdelay $0x4  }
0x65: {  	[tilespmem:v1+s1+$0x0] =	vst.idx.add.f32.msk $0xffff, v2  }
0x66: {  	v2 =	vld [tilespmem:s16+$0xE820];
	_ =	sdelay $0x4  }
0x67: {  	[tilespmem:v1+s22+$0x0] =	vst.idx.add.f32.msk $0xffff, v2  }
0x68: {  	v1 =	vld [tilespmem:s16+$0xC830];
	_ =	sdelay $0x2  }
0x69: {  	v2 =	vld [tilespmem:s16+$0xD030];
	_ =	sdelay $0x4  }
0x6a: {  	[tilespmem:v1+s2+$0x0] =	vst.idx.add.f32.msk $0xffff, v2  }
0x6b: {  	v2 =	vld [tilespmem:s16+$0xD830];
	_ =	sdelay $0x4  }
0x6c: {  	[tilespmem:v1+s0+$0x0] =	vst.idx.add.f32.msk $0xffff, v2  }
0x6d: {  	v2 =	vld [tilespmem:s16+$0xE030];
	_ =	sdelay $0x4  }
0x6e: {  	[tilespmem:v1+s1+$0x0] =	vst.idx.add.f32.msk $0xffff, v2  }
0x6f: {  	v2 =	vld [tilespmem:s16+$0xE830];
	_ =	sdelay $0x4  }
0x70: {  	[tilespmem:v1+s22+$0x0] =	vst.idx.add.f32.msk $0xffff, v2  }
0x71: {  	v1 =	vld [tilespmem:s16+$0xC840];
	_ =	sdelay $0x2  }
0x72: {  	v2 =	vld [tilespmem:s16+$0xD040];
	_ =	sdelay $0x4  }
0x73: {  	[tilespmem:v1+s2+$0x0] =	vst.idx.add.f32.msk $0xffff, v2  }
0x74: {  	v2 =	vld [tilespmem:s16+$0xD840];
	_ =	sdelay $0x4  }
0x75: {  	[tilespmem:v1+s0+$0x0] =	vst.idx.add.f32.msk $0xffff, v2  }
0x76: {  	v2 =	vld [tilespmem:s16+$0xE040];
	_ =	sdelay $0x4  }
0x77: {  	[tilespmem:v1+s1+$0x0] =	vst.idx.add.f32.msk $0xffff, v2  }
0x78: {  	p0 =	sne.s32 s15, $0x1E00;
	v2 =	vld [tilespmem:s16+$0xE840]  }
.Ltmp1:
0x79: {  	_ = 	snop;
	(pc) =	sbr.rel @p0 .LBB2_5-.Ltmp1, $2  }
0x7a: {  	_ =	sdelay $0x2  }
0x7b: {  	s15 =	sadd.s32 $0x140, s15;
	[tilespmem:v1+s22+$0x0] =	vst.idx.add.f32.msk $0xffff, v2  }
0x7c: {  	p0 =	seq.s32 s13, $0x4F  }
0x7d: {  	s14 =	sadd.s32 @!p0 $0xFA0, s14  }
0x7e: {  	s15 =	sshrl.u32 @!p0 s14, $0x3  }
0x7f: {  	s16 =	simm.s32 @!p0 $0x0;
	s17 =	simm.s32 @!p0 $0xC800;
	s15 =	sadd.s32 @!p0 s5, s15  }
0x80: {  	[tilespmem:s17], [sflag:$0x1] =	stream.linear.gather @!p0 [hbm4b:s15+s16], $0x7D0, $0x38;
	[tilespmem:$0x11800] =	vst v63  }
0x81: {  	s15 =	sadd.s32 @!p0 s4, s14  }
0x82: {  	s15 =	sshrl.u32 @!p0 s15, $0x3  }
0x83: {  	s17 =	simm.s32 @!p0 $0xD000;
	s15 =	sadd.s32 @!p0 s3, s15  }
0x84: {  	[tilespmem:s17], [sflag:$0x1] =	stream.linear.gather @!p0 [hbm4b:s15+s16], $0x7D0, $0x38;
	[tilespmem:$0x11800] =	vst v63  }
0x85: {  	s15 =	sadd.s32 @!p0 s6, s14  }
0x86: {  	s15 =	sshrl.u32 @!p0 s15, $0x3  }
0x87: {  	s17 =	simm.s32 @!p0 $0xD800;
	s15 =	sadd.s32 @!p0 s3, s15  }
0x88: {  	[tilespmem:s17], [sflag:$0x1] =	stream.linear.gather @!p0 [hbm4b:s15+s16], $0x7D0, $0x38;
	[tilespmem:$0x11800] =	vst v63  }
0x89: {  	s15 =	sadd.s32 @!p0 s7, s14  }
0x8a: {  	s14 =	sadd.s32 @!p0 s8, s14;
	s15 =	sshrl.u32 @!p0 s15, $0x3  }
0x8b: {  	s17 =	simm.s32 @!p0 $0xE000;
	s14 =	sshrl.u32 @!p0 s14, $0x3;
	s15 =	sadd.s32 @!p0 s3, s15  }
0x8c: {  	[tilespmem:s17], [sflag:$0x1] =	stream.linear.gather @!p0 [hbm4b:s15+s16], $0x7D0, $0x38;
	[tilespmem:$0x11800] =	vst v63  }
0x8d: {  	s14 =	sadd.s32 @!p0 s3, s14;
	s15 =	simm.s32 @!p0 $0xE800  }
0x8e: {  	[tilespmem:s15], [sflag:$0x1] =	stream.linear.gather @!p0 [hbm4b:s14+s16], $0x7D0, $0x38;
	[tilespmem:$0x11800] =	vst v63  }
0x8f: {  	_ =	swait.ge [sflag:s23], $0x7D0  }
0x90: {  	[sflag:s23] =	ssyncset.done $0x0  }
0x91: {  	[sflag:s23] =	ssyncadd.s32 $0xFFFFF830  }
0x92: {  	_ =	swait.ge [sflag:s23], $0x7D0  }
0x93: {  	[sflag:s23] =	ssyncset.done $0x0  }
0x94: {  	[sflag:s23] =	ssyncadd.s32 $0xFFFFF830  }
0x95: {  	_ =	swait.ge [sflag:s23], $0x7D0  }
0x96: {  	[sflag:s23] =	ssyncset.done $0x0  }
0x97: {  	[sflag:s23] =	ssyncadd.s32 $0xFFFFF830  }
0x98: {  	_ =	swait.ge [sflag:s23], $0x7D0  }
0x99: {  	[sflag:s23] =	ssyncset.done $0x0  }
0x9a: {  	[sflag:s23] =	ssyncadd.s32 $0xFFFFF830  }
0x9b: {  	_ =	swait.ge [sflag:s23], $0x7D0  }
0x9c: {  	[sflag:s23] =	ssyncset.done $0x0  }
0x9d: {  	s14 =	simm.s32 $0x0;
	[sflag:s23] =	ssyncadd.s32 $0xFFFFF830  }
.LBB2_7:
0x9e: {  	s15 =	sshra.s32 s14, $0x2  }
0x9f: {  	v1 =	vld [tilespmem:s15+$0xF000];
	_ =	sdelay $0x2  }
0xa0: {  	v2 =	vld [tilespmem:s15+$0xF800];
	_ =	sdelay $0x4  }
0xa1: {  	[tilespmem:v1+s2+$0x0] =	vst.idx.add.f32.msk $0xffff, v2  }
0xa2: {  	v2 =	vld [tilespmem:s15+$0x10000];
	_ =	sdelay $0x4  }
0xa3: {  	[tilespmem:v1+s0+$0x0] =	vst.idx.add.f32.msk $0xffff, v2  }
0xa4: {  	v2 =	vld [tilespmem:s15+$0x10800];
	_ =	sdelay $0x4  }
0xa5: {  	[tilespmem:v1+s1+$0x0] =	vst.idx.add.f32.msk $0xffff, v2  }
0xa6: {  	v2 =	vld [tilespmem:s15+$0x11000];
	_ =	sdelay $0x4  }
0xa7: {  	[tilespmem:v1+s22+$0x0] =	vst.idx.add.f32.msk $0xffff, v2  }
0xa8: {  	v1 =	vld [tilespmem:s15+$0xF010];
	_ =	sdelay $0x2  }
0xa9: {  	v2 =	vld [tilespmem:s15+$0xF810];
	_ =	sdelay $0x4  }
0xaa: {  	[tilespmem:v1+s2+$0x0] =	vst.idx.add.f32.msk $0xffff, v2  }
0xab: {  	v2 =	vld [tilespmem:s15+$0x10010];
	_ =	sdelay $0x4  }
0xac: {  	[tilespmem:v1+s0+$0x0] =	vst.idx.add.f32.msk $0xffff, v2  }
0xad: {  	v2 =	vld [tilespmem:s15+$0x10810];
	_ =	sdelay $0x4  }
0xae: {  	[tilespmem:v1+s1+$0x0] =	vst.idx.add.f32.msk $0xffff, v2  }
0xaf: {  	v2 =	vld [tilespmem:s15+$0x11010];
	_ =	sdelay $0x4  }
0xb0: {  	[tilespmem:v1+s22+$0x0] =	vst.idx.add.f32.msk $0xffff, v2  }
0xb1: {  	v1 =	vld [tilespmem:s15+$0xF020];
	_ =	sdelay $0x2  }
0xb2: {  	v2 =	vld [tilespmem:s15+$0xF820];
	_ =	sdelay $0x4  }
0xb3: {  	[tilespmem:v1+s2+$0x0] =	vst.idx.add.f32.msk $0xffff, v2  }
0xb4: {  	v2 =	vld [tilespmem:s15+$0x10020];
	_ =	sdelay $0x4  }
0xb5: {  	[tilespmem:v1+s0+$0x0] =	vst.idx.add.f32.msk $0xffff, v2  }
0xb6: {  	v2 =	vld [tilespmem:s15+$0x10820];
	_ =	sdelay $0x4  }
0xb7: {  	[tilespmem:v1+s1+$0x0] =	vst.idx.add.f32.msk $0xffff, v2  }
0xb8: {  	v2 =	vld [tilespmem:s15+$0x11020];
	_ =	sdelay $0x4  }
0xb9: {  	[tilespmem:v1+s22+$0x0] =	vst.idx.add.f32.msk $0xffff, v2  }
0xba: {  	v1 =	vld [tilespmem:s15+$0xF030];
	_ =	sdelay $0x2  }
0xbb: {  	v2 =	vld [tilespmem:s15+$0xF830];
	_ =	sdelay $0x4  }
0xbc: {  	[tilespmem:v1+s2+$0x0] =	vst.idx.add.f32.msk $0xffff, v2  }
0xbd: {  	v2 =	vld [tilespmem:s15+$0x10030];
	_ =	sdelay $0x4  }
0xbe: {  	[tilespmem:v1+s0+$0x0] =	vst.idx.add.f32.msk $0xffff, v2  }
0xbf: {  	v2 =	vld [tilespmem:s15+$0x10830];
	_ =	sdelay $0x4  }
0xc0: {  	[tilespmem:v1+s1+$0x0] =	vst.idx.add.f32.msk $0xffff, v2  }
0xc1: {  	v2 =	vld [tilespmem:s15+$0x11030];
	_ =	sdelay $0x4  }
0xc2: {  	[tilespmem:v1+s22+$0x0] =	vst.idx.add.f32.msk $0xffff, v2  }
0xc3: {  	v1 =	vld [tilespmem:s15+$0xF040];
	_ =	sdelay $0x2  }
0xc4: {  	v2 =	vld [tilespmem:s15+$0xF840];
	_ =	sdelay $0x4  }
0xc5: {  	[tilespmem:v1+s2+$0x0] =	vst.idx.add.f32.msk $0xffff, v2  }
0xc6: {  	v2 =	vld [tilespmem:s15+$0x10040];
	_ =	sdelay $0x4  }
0xc7: {  	[tilespmem:v1+s0+$0x0] =	vst.idx.add.f32.msk $0xffff, v2  }
0xc8: {  	v2 =	vld [tilespmem:s15+$0x10840];
	_ =	sdelay $0x4  }
0xc9: {  	[tilespmem:v1+s1+$0x0] =	vst.idx.add.f32.msk $0xffff, v2  }
0xca: {  	p0 =	sne.s32 s14, $0x1E00;
	v2 =	vld [tilespmem:s15+$0x11040]  }
.Ltmp2:
0xcb: {  	_ = 	snop;
	(pc) =	sbr.rel @p0 .LBB2_7-.Ltmp2, $2  }
0xcc: {  	_ =	sdelay $0x2  }
0xcd: {  	s14 =	sadd.s32 $0x140, s14;
	[tilespmem:v1+s22+$0x0] =	vst.idx.add.f32.msk $0xffff, v2  }
0xce: {  	s13 =	sadd.s32 $0x1, s13  }
0xcf: {  	p0 =	seq.s32 s13, $0x50  }
.Ltmp3:
0xd0: {  	_ = 	snop;
	(pc) =	sbr.rel @!p0 .LBB2_4-.Ltmp3, $1  }
0xd1: {  	_ =	sdelay $0x3  }
0xd2: {  	s12 =	simm.s32 $0x0;
	s13 =	simm.s32 $0x0  }
.LBB2_10:
0xd3: {  	s14 =	smul.u32 $0x7D0, s13;
	_ =	sdelay $0x1  }
0xd4: {  	s14 =	sadd.s32 s9, s14  }
0xd5: {  	s14 =	sshrl.u32 s14, $0x3  }
0xd6: {  	s15 =	sadd.s32 s5, s14  }
0xd7: {  	[tilespmem:s20], [sflag:$0x3] =	stream.linear.gather [hbm4b:s15+s12], $0x7D0, $0x38;
	[tilespmem:$0x11800] =	vst v63  }
0xd8: {  	_ =	swait.ge [sflag:s24], $0x7D0  }
0xd9: {  	s14 =	sadd.s32 s3, s14;
	[sflag:s24] =	ssyncset.done $0x0  }
0xda: {  	s14 =	sadd.s32 $0x4E2000, s14;
	[sflag:s24] =	ssyncadd.s32 $0xFFFFF830  }
0xdb: {  	[tilespmem:s21], [sflag:$0x3] =	stream.linear.gather [hbm4b:s14+s12], $0x7D0, $0x38;
	[tilespmem:$0x11800] =	vst v63  }
0xdc: {  	_ =	swait.ge [sflag:s24], $0x7D0  }
0xdd: {  	[sflag:s24] =	ssyncset.done $0x0  }
0xde: {  	s15 =	simm.s32 $0x0;
	s14 =	simm.s32 $0x40;
	[sflag:s24] =	ssyncadd.s32 $0xFFFFF830  }
.LBB2_11:
0xdf: {  	p0 =	sne.s32 s14, $0x1F00;
	v1 =	vld [tilespmem:s15+$0xC800];
	_ =	sdelay $0x2  }
0xe0: {  	v2 =	vld [tilespmem:s15+$0xD000]  }
.Ltmp4:
0xe1: {  	(pc) =	sbr.rel @p0 .LBB2_11-.Ltmp4, $2  }
0xe2: {  	_ =	sdelay $0x2  }
0xe3: {  	s15 =	sshra.s32 s14, $0x2;
	s14 =	sadd.s32 $0x40, s14;
	[tilespmem:v1+s10+$0x0] =	vst.idx.add.f32.msk $0xffff, v2  }
0xe4: {  	v1 =	vld [tilespmem:s15+$0xC800];
	_ =	sdelay $0x1  }
0xe5: {  	s13 =	sadd.s32 $0x1, s13  }
0xe6: {  	v2 =	vld [tilespmem:s15+$0xD000];
	p0 =	sne.s32 s13, $0x5  }
.Ltmp5:
0xe7: {  	_ = 	snop;
	(pc) =	sbr.rel @p0 .LBB2_10-.Ltmp5, $2  }
0xe8: {  	_ =	sdelay $0x2  }
0xe9: {  	[tilespmem:v1+s10+$0x0] =	vst.idx.add.f32.msk $0xffff, v2  }
0xea: {  	s12 =	rddreg [dreg:$0x6]  }
0xeb: {  	[hbm4b:s12+s2] =	stream.linear.scatter [tilespmem:s2], [sflag:$0x3], $0x2800, $0x38;
	[tilespmem:$0x11800] =	vst v63  }
0xec: {  	_ =	swait.ge [sflag:s24], $0x2800  }
0xed: {  	[sflag:s24] =	ssyncset.done $0x0  }
0xee: {  	s15 =	rddreg [dreg:$0x7];
	[sflag:s24] =	ssyncadd.s32 $0xFFFFD800  }
0xef: {  	[hbm4b:s15+s2] =	stream.linear.scatter [tilespmem:s0], [sflag:$0x3], $0x2800, $0x38;
	[tilespmem:$0x11800] =	vst v63  }
0xf0: {  	_ =	swait.ge [sflag:s24], $0x2800  }
0xf1: {  	[sflag:s24] =	ssyncset.done $0x0  }
0xf2: {  	s16 =	rddreg [dreg:$0x8];
	[sflag:s24] =	ssyncadd.s32 $0xFFFFD800  }
0xf3: {  	[hbm4b:s16+s2] =	stream.linear.scatter [tilespmem:s1], [sflag:$0x3], $0x2800, $0x38;
	[tilespmem:$0x11800] =	vst v63  }
0xf4: {  	_ =	swait.ge [sflag:s24], $0x2800  }
0xf5: {  	[sflag:s24] =	ssyncset.done $0x0  }
0xf6: {  	s17 =	rddreg [dreg:$0x9];
	[sflag:s24] =	ssyncadd.s32 $0xFFFFD800  }
0xf7: {  	[hbm4b:s17+s2] =	stream.linear.scatter [tilespmem:s22], [sflag:$0x3], $0x2800, $0x38;
	[tilespmem:$0x11800] =	vst v63  }
0xf8: {  	s11 =	sadd.s32 $0x1, s11;
	_ =	swait.ge [sflag:s24], $0x2800  }
0xf9: {  	p0 =	sne.s32 s11, s19;
	[sflag:s24] =	ssyncset.done $0x0  }
.Ltmp6:
0xfa: {  	[sflag:s24] =	ssyncadd.s32 $0xFFFFD800;
	(pc) =	sbr.rel @p0 .LBB2_1-.Ltmp6, $4  }
0xfb: {  	[hbm4b:s18+s2] =	stream.linear.scatter [tilespmem:s10], [sflag:$0x3], $0x2800, $0x38;
	[tilespmem:$0x11800] =	vst v63  }
0xfc: {  	_ =	swait.ge [sflag:s24], $0x2800  }
0xfd: {  	[sflag:s24] =	ssyncset.done $0x0  }
0xfe: {  	[sflag:s24] =	ssyncadd.s32 $0xFFFFD800  }
0xff: {  	_ =	sfence.sel $0x180000  }
0x100: {  	[bflag:$0x0] =	sbarrier.arrive $0xFFFF  }
0x101: {  	_ =	strace $0x9000004A  }
0x102: {  	s0 =	stileid.u32;
	[bflag:$0x2] =	sbarrier.arrive $0xFFFF  }
0x103: {  	p0 =	sne.s32 s0, $0x0;
	s0 =	rddreg [dreg:$0x1]  }
0x104: {  	s0 =	sadd.s32 @!p0 $0x100000, s0  }
0x105: {  	[sflag:s0] =	ssyncadd.tile.s32 @!p0 $0x1;
	_ =	shalt  }
.Lfunc_end2:
_tile_overlayer_lowered:
.L_overlay_start_2:
0x106: {  	(tag) =	ssettag $0x2  }
0x107: {  	s0 =	rddreg [dreg:$0x0];
	s2 =	stileid.u32  }
0x108: {  	s1 =	rddreg [dreg:$0x1];
	p0 =	sne.s32 s2, $0x0  }
0x109: {  	s3 =	rddreg [dreg:$0x2];
	[bflag:$0x3] =	sbarrier.arrive $0xFFFF;
	s2 =	simm.s32 @!p0 $0x1C03  }
0x10a: {  	[timem:s3], [sflag:s2] =	dma.local @!p0 [hbm:s0], s1  }
0x10b: {  	s0 =	simm.s32 @!p0 $0x3  }
0x10c: {  	_ =	swait.ge @!p0 [sflag:s0], s1  }
0x10d: {  	s1 =	ssub.s32 @!p0 $0x0, s1;
	[sflag:s0] =	ssyncset.done @!p0 $0x0  }
0x10e: {  	[sflag:s0] =	ssyncadd.s32 @!p0 s1  }
0x10f: {  	[bflag:$0x3] =	sbarrier.arrive $0xFFFF  }
0x110: {  	_ =	shalt  }

// kernel: kernel.7.cloned.1.call-start
scs
__scs_entry_jumppad:
0x0: {  	(pc) =	sbr.rel $0x88, $3  }
0x1: {  	(tag) =	ssettag $0x0;
	lr =	simm.s32 $0x1  }
0x2: {  	[smem:$0x3F88] =	sst lr;
	_ =	strace $0xD0000000  }
0x3: {  	_ = 	snop  }
0x4: {  	_ = 	snop  }
0x5: {  	_ = 	snop  }
0x6: {  	_ = 	snop  }
0x7: {  	_ = 	snop  }
__scs_overlays_trampoline_lowered:
0x8: {  	[smem:$0x3F97] =	sst s0  }
0x9: {  	[smem:$0x3F98] =	sst s1  }
0xa: {  	[smem:$0x3F99] =	sst s2  }
0xb: {  	[smem:$0x3F9A] =	sst s3  }
0xc: {  	[smem:$0x3F9B] =	sst s4  }
0xd: {  	[smem:$0x3F9C] =	sst s5  }
0xe: {  	[smem:$0x3F9D] =	sst s6  }
0xf: {  	[smem:$0x3F9E] =	sst s7  }
0x10: {  	[smem:$0x3F9F] =	sst s8  }
0x11: {  	[smem:$0x3FA0] =	sst s9;
	s0 =	simm.s32 @!p0 $0x0  }
0x12: {  	s1 =	sld [smem:$0x3F86];
	s0 =	simm.s32 @p0 $0x1  }
0x13: {  	[smem:$0x3FA1] =	sst s0;
	s0 =	simm.s32 @!p1 $0x0  }
0x14: {  	s2 =	sld [smem:$0x3F85];
	s0 =	simm.s32 @p1 $0x1  }
0x15: {  	[smem:$0x3FA2] =	sst s0;
	s0 =	simm.s32 @!p2 $0x0  }
0x16: {  	s3 =	sld [smem:$0x3FDB];
	s0 =	simm.s32 @p2 $0x1  }
0x17: {  	s4 =	simm.s32 $0x1BF5;
	[smem:$0x3FA4] =	sst s0  }
0x18: {  	s0 =	sld [smem:$0x3F87];
	_ =	swait.ge [sflag:s4], $0x0  }
0x19: {  	s7 =	sld [smem:$0x3F88]  }
0x1a: {  	s8 =	sadd.s32 $0xFFFFE003, lr  }
0x1b: {  	s9 =	sadd.s32 $0xFFFFFEF7, lr;
	s5 =	simm.s32 $0xFFFFFFFF;
	p2 =	slt.u32 s8, $0xFFFFF086  }
0x1c: {  	p1 =	slt.u32 s9, $0xF7A;
	s5 =	simm.s32 @!p2 $0x0  }
0x1d: {  	s5 =	simm.s32 @p1 $0x1;
	p0 =	seq.s32 s7, s2  }
0x1e: {  	s7 =	smul.u32 @!p0 $0xF7A, s2;
	p2 =	seq.s32 @!p0 s5, $0x0  }
0x1f: {  	s9 =	smul.u32 $0xF7A, s1;
	s8 =	simm.s32 @!p0 $0x1BF5;
	p2 =	por !p2, p0  }
0x20: {  	[sflag:s8] =	ssyncset.s32 @!p0 $0xFFFFF086;
	s6 =	sadd.s32 @!p0 s3, s7;
	s7 =	simm.s32 @!p0 $0x108  }
0x21: {  	s3 =	sadd.s32 s3, s9;
	s6 =	sadd.s32 @!p0 $0x88, s6;
	s7 =	simm.s32 @p2 $0x1082  }
0x22: {  	[simem:s7], [sflag:s8] =	dma.local @!p0 [hbm:s6], $0xF7A  }
0x23: {  	s9 =	sor.u32 $0xD0000000, s2;
	s6 =	simm.s32 $0x108;
	_ =	swait.ge @!p0 [sflag:s8], $0x0  }
0x24: {  	s3 =	sadd.s32 $0x88, s3;
	s6 =	simm.s32 @!p1 $0x1082;
	[sflag:s4] =	ssyncset.s32 $0xFFFFF086  }
0x25: {  	[simem:s6], [sflag:s4] =	dma.local [hbm:s3], $0xF7A  }
0x26: {  	[smem:$0x3F88] =	sst s1;
	(tag) =	ssettag s2;
	_ =	strace s9  }
0x27: {  	s1 =	sld [smem:$0x3F98]  }
0x28: {  	s2 =	sld [smem:$0x3F99]  }
0x29: {  	s4 =	sld [smem:$0x3F9B]  }
0x2a: {  	p0 =	seq.s32 s5, $0x0;
	s5 =	sld [smem:$0x3F9C]  }
0x2b: {  	s6 =	sld [smem:$0x3F9D]  }
0x2c: {  	s7 =	sld [smem:$0x3F9E]  }
0x2d: {  	s3 =	simm.s32 $0x108;
	s8 =	sld [smem:$0x3F9F]  }
0x2e: {  	s3 =	simm.s32 @!p0 $0x1082;
	s9 =	sld [smem:$0x3FA0]  }
0x2f: {  	lr =	sadd.s32 s0, s3;
	s0 =	sld [smem:$0x3F97]  }
0x30: {  	s3 =	sld [smem:$0x3F9A]  }
0x31: {  	[smem:$0x3FA3] =	sst s10  }
0x32: {  	s10 =	sld [smem:$0x3FA1];
	_ =	sdelay $0x3  }
0x33: {  	p0 =	seq.s32 s10, $0x1;
	s10 =	sld [smem:$0x3FA3];
	_ =	sdelay $0x3  }
0x34: {  	[smem:$0x3FA3] =	sst s10  }
0x35: {  	s10 =	sld [smem:$0x3FA2];
	_ =	sdelay $0x3  }
0x36: {  	p1 =	seq.s32 s10, $0x1;
	s10 =	sld [smem:$0x3FA3];
	_ =	sdelay $0x3  }
0x37: {  	[smem:$0x3FA3] =	sst s10  }
0x38: {  	s10 =	sld [smem:$0x3FA4]  }
0x39: {  	_ = 	snop;
	(pc) =	sbr.ind lr, $3  }
0x3a: {  	_ = 	snop  }
0x3b: {  	_ = 	snop  }
0x3c: {  	p2 =	seq.s32 s10, $0x1;
	s10 =	sld [smem:$0x3FA3]  }
0x3d: {  	_ =	shalt  }
0x3e: {  	_ =	shalt  }
0x3f: {  	_ =	shalt  }
0x40: {  	_ =	shalt  }
0x41: {  	_ =	shalt  }
0x42: {  	_ =	shalt  }
0x43: {  	_ =	shalt  }
0x44: {  	_ =	shalt  }
0x45: {  	_ =	shalt  }
0x46: {  	_ =	shalt  }
0x47: {  	_ =	shalt  }
0x48: {  	_ =	shalt  }
0x49: {  	_ =	shalt  }
0x4a: {  	_ =	shalt  }
0x4b: {  	_ =	shalt  }
0x4c: {  	_ =	shalt  }
0x4d: {  	_ =	shalt  }
0x4e: {  	_ =	shalt  }
0x4f: {  	_ =	shalt  }
0x50: {  	_ =	shalt  }
0x51: {  	_ =	shalt  }
0x52: {  	_ =	shalt  }
0x53: {  	_ =	shalt  }
0x54: {  	_ =	shalt  }
0x55: {  	_ =	shalt  }
0x56: {  	_ =	shalt  }
0x57: {  	_ =	shalt  }
0x58: {  	_ =	shalt  }
0x59: {  	_ =	shalt  }
0x5a: {  	_ =	shalt  }
0x5b: {  	_ =	shalt  }
0x5c: {  	_ =	shalt  }
0x5d: {  	_ =	shalt  }
0x5e: {  	_ =	shalt  }
0x5f: {  	_ =	shalt  }
0x60: {  	_ =	shalt  }
0x61: {  	_ =	shalt  }
0x62: {  	_ =	shalt  }
0x63: {  	_ =	shalt  }
0x64: {  	_ =	shalt  }
0x65: {  	_ =	shalt  }
0x66: {  	_ =	shalt  }
0x67: {  	_ =	shalt  }
0x68: {  	_ =	shalt  }
0x69: {  	_ =	shalt  }
0x6a: {  	_ =	shalt  }
0x6b: {  	_ =	shalt  }
0x6c: {  	_ =	shalt  }
0x6d: {  	_ =	shalt  }
0x6e: {  	_ =	shalt  }
0x6f: {  	_ =	shalt  }
0x70: {  	_ =	shalt  }
0x71: {  	_ =	shalt  }
0x72: {  	_ =	shalt  }
0x73: {  	_ =	shalt  }
0x74: {  	_ =	shalt  }
0x75: {  	_ =	shalt  }
0x76: {  	_ =	shalt  }
0x77: {  	_ =	shalt  }
0x78: {  	_ =	shalt  }
0x79: {  	_ =	shalt  }
0x7a: {  	_ =	shalt  }
0x7b: {  	_ =	shalt  }
0x7c: {  	_ =	shalt  }
0x7d: {  	_ =	shalt  }
0x7e: {  	_ =	shalt  }
0x7f: {  	_ =	shalt  }
0x80: {  	_ =	shalt  }
0x81: {  	_ =	shalt  }
0x82: {  	_ =	shalt  }
0x83: {  	_ =	shalt  }
0x84: {  	_ =	shalt  }
0x85: {  	_ =	shalt  }
0x86: {  	_ =	shalt  }
0x87: {  	_ =	shalt  }
.Lfunc_end0:
.L_simem_size_0:
called_computation_lowered:
.L_overlay_start_0:
0x88: {  	s2 =	sld [smem:$0x3FD9]  }
0x89: {  	s3 =	sld [smem:$0x3FFE];
	_ =	sdelay $0x1  }
0x8a: {  	s1 =	srdreg.scid  }
0x8b: {  	s0 =	sand.u32 $0x1, s1  }
0x8c: {  	s14 =	sshll.u32 s0, $0xA;
	s2 =	sadd.s32 s3, s2  }
0x8d: {  	s2 =	sadd.s32 s2, s14  }
0x8e: {  	[smem:$0x3FAF] =	sst s2  }
0x8f: {  	_ = 	snop  }
0x90: {  	s2 =	sld [smem:$0x3FD0];
	_ =	sdelay $0x2  }
0x91: {  	s15 =	simm.s32 $0xA;
	s4 =	simm.s32 $0x10  }
0x92: {  	[smem:s4], [sflag:s15] =	dma.local [hbm:s2], $0x1  }
0x93: {  	_ =	swait.eq [sflag:s15], $0x1  }
0x94: {  	[sflag:s15] =	ssyncset.done $0x0  }
0x95: {  	[sflag:s15] =	ssyncadd.s32 $0xFFFFFFFF  }
0x96: {  	s16 =	sld [smem:$0x11];
	(tm) =	ssettm $0x1  }
0x97: {  	s17 =	sld [smem:$0x3FFB];
	_ =	sdelay $0x3  }
0x98: {  	_ =	strace s17  }
0x99: {  	s3 =	sld [smem:$0x3FFC];
	_ =	sdelay $0x3  }
0x9a: {  	_ =	strace s3  }
0x9b: {  	s3 =	sld [smem:$0x3FFD];
	_ =	sdelay $0x3  }
0x9c: {  	_ =	strace s3  }
0x9d: {  	_ =	strace $0x8FFFFFFF  }
0x9e: {  	s18 =	sld [smem:$0x3FDB];
	_ =	sdelay $0x1  }
0x9f: {  	s19 =	simm.s32 $_scs_section_size  }
0xa0: {  	s5 =	simm.s32 $_size__tile_overlayer_lowered;
	s6 =	simm.s32 $_tile_overlayer_lowered  }
0xa1: {  	s22 =	simm.s32 $0x1BFF;
	s21 =	sshll.u32 s6, $0x1;
	s3 =	sadd.s32 s19, s18  }
0xa2: {  	s7 =	simm.s32 $0x0;
	s20 =	sshll.u32 s5, $0x1;
	s5 =	sadd.s32 s21, s3  }
0xa3: {  	[timem:s7], [sflag:s22] =	dma.local [hbm:s5], s20  }
0xa4: {  	_ =	swait.ge [sflag:s22], s20  }
0xa5: {  	s4 =	ssub.s32 $0x0, s20;
	[sflag:s22] =	ssyncset.done $0x0  }
0xa6: {  	[sflag:s22] =	ssyncadd.s32 s4;
	_ =	sdelay $0x1  }
0xa7: {  	s23 =	simm.s32 $0x1B8B  }
0xa8: {  	_ =	swait.ge [sflag:s23], $0x1  }
0xa9: {  	[sflag:s23] =	ssyncset.done $0x0  }
0xaa: {  	s25 =	simm.s32 $0x1B8E;
	s24 =	sld [smem:$0x3FFE];
	[sflag:s23] =	ssyncadd.s32 $0xFFFFFFFF  }
0xab: {  	s26 =	simm.s32 $execute0_lowered;
	[smem:$0x3FD2] =	sst s25  }
0xac: {  	s5 =	sshll.u32 s26, $0x1;
	_ =	strace $0x80000046;
	[dreg:$0x1] =	wrdreg $0xFFFFFFFF  }
0xad: {  	s28 =	simm.s32 $_size_execute0_lowered;
	s3 =	sadd.s32 s3, s5;
	[dreg:$0x0] =	wrdreg $0x0  }
0xae: {  	s5 =	sshll.u32 s28, $0x1;
	[dreg:$0x2] =	wrdreg s3  }
0xaf: {  	[dreg:$0x3] =	wrdreg s5  }
0xb0: {  	[dreg:$0x4] =	wrdreg $0xC0  }
0xb1: {  	_ =	task [dreg:s7], $0x5FFFF  }
0xb2: {  	[dreg:$0x1] =	wrdreg $0xFFFFFFFF  }
0xb3: {  	[dreg:$0x0] =	wrdreg $0x60  }
0xb4: {  	[dreg:$0x2] =	wrdreg s16  }
0xb5: {  	[dreg:$0x3] =	wrdreg s24  }
0xb6: {  	[dreg:$0x4] =	wrdreg $0x9  }
0xb7: {  	_ =	task.clear_ibuf [dreg:s7], $0x5FFFF;
	_ =	strace $0x90000046  }
0xb8: {  	s29 =	simm.s32 $0x9;
	_ =	strace $0x80000048  }
0xb9: {  	_ =	swait.ge [sflag:s29], $0x1  }
0xba: {  	[sflag:s29] =	ssyncadd.s32 $0xFFFFFFFF  }
0xbb: {  	_ =	strace $0x90000048  }
0xbc: {  	_ =	sfence  }
0xbd: {  	s30 =	sld [smem:$0x0];
	_ =	sdelay $0x2  }
0xbe: {  	s31 =	sshll.u32 s1, $0xD;
	s1 =	sshrl.u32 s1, $0x2  }
0xbf: {  	s3 =	sand.u32 $0x4000, s31;
	s1 =	sadd.s32 s1, s30  }
0xc0: {  	s0 =	sor.u32 s3, s0;
	s1 =	sshll.u32 s1, $0x11  }
0xc1: {  	s0 =	sor.u32 s1, s0  }
0xc2: {  	s0 =	sadd.s32 $0x8F2B, s0  }
0xc3: {  	[sflag:s0] =	ssyncadd.remote.s32 $0x1  }
0xc4: {  	_ =	sfence.sel $0xFFFF  }
0xc5: {  	[dreg:$0x0] =	wrdreg $0xFFFFFFFF;
	(pc) =	sbr.abs _section_cstart, $3  }
0xc6: {  	[dreg:$0x1] =	wrdreg $0xFFFFFFFF  }
0xc7: {  	_ =	task.clear_ibuf [dreg:s7], $0x2FFFF;
	_ =	strace $0x9FFFFFFF  }
0xc8: {  	(tm) =	ssettm $0x7FFFFFFF  }
0xc9: {  	_ =	shalt  }
tec
execute0_lowered:
.L_overlay_start_1:
0x0: {  	(tag) =	ssettag $0x1  }
0x1: {  	s2 =	rddreg [dreg:$0x0];
	s1 =	srdreg.scid  }
0x2: {  	s0 =	stileid.u32;
	s5 =	rddreg [dreg:$0x1];
	s3 =	simm.s32 $0x0  }
0x3: {  	s14 =	simm.s32 $0x50;
	s15 =	simm.s32 $0x9E00;
	s16 =	simm.s32 $0x7680  }
0x4: {  	s17 =	simm.s32 $0x6;
	s18 =	simm.s32 $0xC600;
	s19 =	simm.s32 $0x2  }
0x5: {  	s20 =	simm.s32 $0x4;
	s21 =	simm.s32 $0x3;
	s22 =	simm.s32 $0x5  }
0x6: {  	s23 =	simm.s32 $0x0;
	s7 =	sand.u32 $0x1, s1;
	s1 =	rddreg [dreg:$0x2]  }
0x7: {  	s4 =	sshll.u32 s0, $0x1;
	[smem:$0x7FF] =	sst s3;
	s12 =	smul.u32 $0x4E200, s0  }
0x8: {  	s11 =	sadd.s32 $0x49C00, s5;
	s6 =	sor.u32 s7, s4;
	s13 =	smul.u32 $0x27100, s7  }
0x9: {  	_ =	strace $0x80000047;
	s9 =	ssub.s32 $0x2, s7;
	s8 =	smul.u32 $0x2710, s6  }
0xa: {  	s4 =	sadd.s32 $0x3F800, s5;
	s10 =	sshrl.u32 s9, $0x1;
	s6 =	smul.u32 $0x138800, s6  }
0xb: {  	s31 =	sadd.s32 s12, s11;
	s12 =	simm.s32 $0x4F00;
	s9 =	ssub.s32 s9, s10  }
0xc: {  	s8 =	sshrl.u32 s8, $0x3;
	s30 =	sshrl.u32 s6, $0x3;
	s9 =	smax.u32 s9, $0x1  }
0xd: {  	s8 =	sadd.s32 s8, s5;
	s10 =	sadd.s32 s11, s30;
	s11 =	simm.s32 $0x2780  }
0xe: {  	s5 =	sadd.s32 $0x4A00, s8;
	s6 =	sadd.s32 $0xE800, s8;
	s7 =	sadd.s32 $0x3FE00, s8  }
0xf: {  	s8 =	sadd.s32 $0x26C00, s10;
	s10 =	sadd.s32 s13, s31;
	s13 =	simm.s32 $0x1  }
.LBB2_1:
0x10: {  	[tilespmem:s3], [sflag:$0x1] =	stream.linear.gather [hbm4b:s5+s3], $0x2710, $0x38;
	[tilespmem:$0xEE00] =	vst v63  }
0x11: {  	_ = 	snop  }
0x12: {  	[tilespmem:s11], [sflag:$0x1] =	stream.linear.gather [hbm4b:s6+s3], $0x2710, $0x38;
	[tilespmem:$0xEE00] =	vst v63  }
0x13: {  	_ = 	snop  }
0x14: {  	[tilespmem:s12], [sflag:$0x1] =	stream.linear.gather [hbm4b:s4+s3], $0x2780, $0x38;
	[tilespmem:$0xEE00] =	vst v63  }
0x15: {  	_ =	swait.ge [sflag:s13], $0x2710  }
0x16: {  	[sflag:s13] =	ssyncset.done $0x0  }
0x17: {  	[sflag:s13] =	ssyncadd.s32 $0xFFFFD8F0  }
0x18: {  	_ =	swait.ge [sflag:s13], $0x2710  }
0x19: {  	[sflag:s13] =	ssyncset.done $0x0  }
0x1a: {  	[sflag:s13] =	ssyncadd.s32 $0xFFFFD8F0  }
0x1b: {  	_ =	swait.ge [sflag:s13], $0x2780  }
0x1c: {  	[sflag:s13] =	ssyncset.done $0x0  }
0x1d: {  	s24 =	simm.s32 $0x0;
	[sflag:s13] =	ssyncadd.s32 $0xFFFFD880  }
0x1e: {  	[tilespmem:s15], [sflag:$0x2] =	stream.indirect.gather [hbm4b:s2+s14], $0x80, s3, s14, $0xb8;
	[tilespmem:$0xEE00] =	vst v63  }
0x1f: {  	v0 =	vld [tilespmem:s24+$0x2780];
	_ =	sdelay $0x7  }
0x20: {  	s25 =	simm.s32 $0x10;
	s26 =	simm.s32 $0x80;
	v0 =	vld.idx.msk [tilespmem:v0+s12+$0x0], $0xffff  }
.LBB2_2:
0x21: {  	p0 =	sne.s32 s26, $0x9C00;
	v1 =	vld [tilespmem:s25+$0x2780];
	_ =	sdelay $0x3  }
.Ltmp0:
0x22: {  	(pc) =	sbr.rel @p0 .LBB2_2-.Ltmp0, $2  }
0x23: {  	[tilespmem:s24+$0x7680] =	vst v0;
	s24 =	smov.u32 s25;
	_ =	sdelay $0x2  }
0x24: {  	s25 =	sshra.s32 s26, $0x2;
	s26 =	sadd.s32 $0x40, s26;
	v0 =	vld.idx.msk [tilespmem:v1+s12+$0x0], $0xffff  }
0x25: {  	v1 =	vld [tilespmem:s25+$0x2780];
	_ =	sdelay $0x6  }
0x26: {  	[tilespmem:s24+$0x7680] =	vst v0  }
0x27: {  	v0 =	vld.idx.msk [tilespmem:v1+s12+$0x0], $0xffff;
	_ =	sdelay $0x4  }
0x28: {  	s28 =	simm.s32 $0x0;
	[tilespmem:s25+$0x7680] =	vst v0  }
0x29: {  	[hbm4b:s7+s28] =	stream.linear.scatter [tilespmem:s16], [sflag:$0x6], $0x2710, $0x38;
	[tilespmem:$0xEE00] =	vst v63  }
0x2a: {  	_ =	swait.ge [sflag:s17], $0x2710  }
0x2b: {  	[sflag:s17] =	ssyncset.done $0x0  }
0x2c: {  	s29 =	simm.s32 $0x50;
	[sflag:s17] =	ssyncadd.s32 $0xFFFFD8F0  }
0x2d: {  	[tilespmem:s18], [sflag:$0x4] =	stream.indirect.gather [hbm4b:s2+s14], $0x80, s29, s14, $0xb8;
	[tilespmem:$0xEE00] =	vst v63  }
0x2e: {  	_ =	swait.ge [sflag:s19], $0x2800  }
0x2f: {  	[sflag:s19] =	ssyncset.done $0x0  }
0x30: {  	s30 =	sadd.s32 $0x0, s10;
	[sflag:s19] =	ssyncadd.s32 $0xFFFFD800  }
0x31: {  	[hbm4b:s30+s3] =	stream.linear.scatter [tilespmem:s15], [sflag:$0x3], $0x2800, $0x38;
	[tilespmem:$0xEE00] =	vst v63  }
0x32: {  	_ =	swait.ge [sflag:s20], $0x2800  }
0x33: {  	[sflag:s20] =	ssyncset.done $0x0  }
0x34: {  	s24 =	sadd.s32 $0x500, s30;
	[sflag:s20] =	ssyncadd.s32 $0xFFFFD800  }
0x35: {  	[hbm4b:s24+s3] =	stream.linear.scatter [tilespmem:s18], [sflag:$0x5], $0x2800, $0x38;
	[tilespmem:$0xEE00] =	vst v63  }
0x36: {  	_ =	swait.ge [sflag:s21], $0x2800  }
0x37: {  	[sflag:s21] =	ssyncset.done $0x0  }
0x38: {  	s31 =	simm.s32 $0xA0;
	[sflag:s21] =	ssyncadd.s32 $0xFFFFD800  }
0x39: {  	[tilespmem:s15], [sflag:$0x2] =	stream.indirect.gather [hbm4b:s2+s14], $0x80, s31, s14, $0xb8;
	[tilespmem:$0xEE00] =	vst v63  }
0x3a: {  	s26 =	simm.s32 $0x1400;
	_ =	swait.ge [sflag:s22], $0x2800  }
0x3b: {  	s25 =	simm.s32 $0xA00;
	s24 =	simm.s32 $0x140;
	[sflag:s22] =	ssyncset.done $0x0  }
.LBB2_4:
0x3c: {  	p0 =	sne.s32 s26, $0x26200;
	s28 =	sadd.s32 $0xFFFFFFB0, s24;
	[sflag:s22] =	ssyncadd.s32 $0xFFFFD800  }
0x3d: {  	[tilespmem:s18], [sflag:$0x4] =	stream.indirect.gather [hbm4b:s2+s14], $0x80, s28, s14, $0xb8;
	[tilespmem:$0xEE00] =	vst v63  }
0x3e: {  	s28 =	smov.u32 s26;
	s26 =	sadd.s32 $0xA00, s26;
	_ =	swait.ge [sflag:s19], $0x2800  }
0x3f: {  	[sflag:s19] =	ssyncset.done $0x0  }
0x40: {  	s29 =	sadd.s32 s25, s10;
	s25 =	smov.u32 s28;
	[sflag:s19] =	ssyncadd.s32 $0xFFFFD800  }
0x41: {  	[hbm4b:s29+s3] =	stream.linear.scatter [tilespmem:s15], [sflag:$0x3], $0x2800, $0x38;
	[tilespmem:$0xEE00] =	vst v63  }
0x42: {  	_ =	swait.ge [sflag:s20], $0x2800  }
0x43: {  	[sflag:s20] =	ssyncset.done $0x0  }
0x44: {  	s28 =	sadd.s32 $0x500, s29;
	[sflag:s20] =	ssyncadd.s32 $0xFFFFD800  }
0x45: {  	[hbm4b:s28+s3] =	stream.linear.scatter [tilespmem:s18], [sflag:$0x5], $0x2800, $0x38;
	[tilespmem:$0xEE00] =	vst v63  }
0x46: {  	_ =	swait.ge [sflag:s21], $0x2800  }
.Ltmp1:
0x47: {  	[sflag:s21] =	ssyncset.done $0x0;
	(pc) =	sbr.rel @p0 .LBB2_4-.Ltmp1, $4  }
0x48: {  	[sflag:s21] =	ssyncadd.s32 $0xFFFFD800  }
0x49: {  	[tilespmem:s15], [sflag:$0x2] =	stream.indirect.gather [hbm4b:s2+s14], $0x80, s24, s14, $0xb8;
	[tilespmem:$0xEE00] =	vst v63  }
0x4a: {  	_ =	swait.ge [sflag:s22], $0x2800  }
0x4b: {  	s24 =	sadd.s32 $0xA0, s24;
	[sflag:s22] =	ssyncset.done $0x0  }
0x4c: {  	s26 =	sadd.s32 $0xFFFFFFB0, s24;
	[sflag:s22] =	ssyncadd.s32 $0xFFFFD800  }
0x4d: {  	[tilespmem:s18], [sflag:$0x4] =	stream.indirect.gather [hbm4b:s2+s14], $0x80, s26, s14, $0xb8;
	[tilespmem:$0xEE00] =	vst v63  }
0x4e: {  	_ =	swait.ge [sflag:s19], $0x2800  }
0x4f: {  	[sflag:s19] =	ssyncset.done $0x0  }
0x50: {  	s25 =	sadd.s32 s25, s10;
	[sflag:s19] =	ssyncadd.s32 $0xFFFFD800  }
0x51: {  	[hbm4b:s25+s3] =	stream.linear.scatter [tilespmem:s15], [sflag:$0x3], $0x2800, $0x38;
	[tilespmem:$0xEE00] =	vst v63  }
0x52: {  	_ =	swait.ge [sflag:s20], $0x2800  }
0x53: {  	[sflag:s20] =	ssyncset.done $0x0  }
0x54: {  	s25 =	sadd.s32 $0x500, s25;
	[sflag:s20] =	ssyncadd.s32 $0xFFFFD800  }
0x55: {  	[hbm4b:s25+s3] =	stream.linear.scatter [tilespmem:s18], [sflag:$0x5], $0x2800, $0x38;
	[tilespmem:$0xEE00] =	vst v63  }
0x56: {  	_ =	swait.ge [sflag:s21], $0x2800  }
0x57: {  	[sflag:s21] =	ssyncset.done $0x0  }
0x58: {  	[sflag:s21] =	ssyncadd.s32 $0xFFFFD800  }
0x59: {  	[tilespmem:s15], [sflag:$0x2] =	stream.indirect.gather [hbm4b:s2+s14], $0x80, s24, s14, $0xb8;
	[tilespmem:$0xEE00] =	vst v63  }
0x5a: {  	_ =	swait.ge [sflag:s22], $0x2800  }
0x5b: {  	[sflag:s22] =	ssyncset.done $0x0  }
0x5c: {  	[sflag:s22] =	ssyncadd.s32 $0xFFFFD800  }
0x5d: {  	s23 =	sadd.s32 $0x1, s23;
	_ =	swait.ge [sflag:s19], $0x2800  }
0x5e: {  	p0 =	sne.s32 s23, s9;
	[sflag:s19] =	ssyncset.done $0x0  }
.Ltmp2:
0x5f: {  	[sflag:s19] =	ssyncadd.s32 $0xFFFFD800;
	(pc) =	sbr.rel @p0 .LBB2_1-.Ltmp2, $4  }
0x60: {  	[hbm4b:s8+s3] =	stream.linear.scatter [tilespmem:s15], [sflag:$0x3], $0x2800, $0x38;
	[tilespmem:$0xEE00] =	vst v63  }
0x61: {  	_ =	swait.ge [sflag:s21], $0x2800  }
0x62: {  	[sflag:s21] =	ssyncset.done $0x0  }
0x63: {  	[sflag:s21] =	ssyncadd.s32 $0xFFFFD800  }
0x64: {  	_ =	sfence.sel $0x180000  }
0x65: {  	[bflag:$0x0] =	sbarrier.arrive $0xFFFF  }
0x66: {  	p0 =	sne.s32 s0, $0x0;
	_ =	strace $0x90000047  }
0x67: {  	s0 =	sadd.s32 @!p0 $0x100000, s1;
	[bflag:$0x2] =	sbarrier.arrive $0xFFFF  }
0x68: {  	[sflag:s0] =	ssyncadd.tile.s32 @!p0 $0x1;
	_ =	shalt  }
.Lfunc_end2:
_tile_overlayer_lowered:
.L_overlay_start_2:
0x69: {  	(tag) =	ssettag $0x2  }
0x6a: {  	s0 =	rddreg [dreg:$0x0];
	s2 =	stileid.u32  }
0x6b: {  	s1 =	rddreg [dreg:$0x1];
	p0 =	sne.s32 s2, $0x0  }
0x6c: {  	s3 =	rddreg [dreg:$0x2];
	[bflag:$0x3] =	sbarrier.arrive $0xFFFF;
	s2 =	simm.s32 @!p0 $0x1C06  }
0x6d: {  	[timem:s3], [sflag:s2] =	dma.local @!p0 [hbm:s0], s1  }
0x6e: {  	s0 =	simm.s32 @!p0 $0x6  }
0x6f: {  	_ =	swait.ge @!p0 [sflag:s0], s1  }
0x70: {  	s1 =	ssub.s32 @!p0 $0x0, s1;
	[sflag:s0] =	ssyncset.done @!p0 $0x0  }
0x71: {  	[sflag:s0] =	ssyncadd.s32 @!p0 s1  }
0x72: {  	[bflag:$0x3] =	sbarrier.arrive $0xFFFF  }
0x73: {  	_ =	shalt  }

</sc_bundles>
